<compile_context>
chip_gen: v7x
topology: tpu7x:2x2x1
jax: 0.10.2.dev20260603
libtpu: 0.0.44.dev20260713+nightly
codegen_flags: <defaults>
</compile_context>

<pallas_src>
import functools

import jax
import jax.numpy as jnp
from jax import lax
from jax.experimental import pallas as pl
from jax.experimental.pallas import tpu as pltpu
from jax.experimental.pallas import tpu_sc as plsc

_CHUNK = 80
_ALIGNED = 256


@functools.partial(jax.jit, static_argnames=("nc", "ns", "d"))
def _lookup(idx, table, table_tail, d, nc, ns):
    nw = nc * ns
    _, n_ch, _ = idx.shape
    per_w = n_ch * _CHUNK
    n = nw * per_w
    tail = d - _ALIGNED
    mesh = plsc.VectorSubcoreMesh(core_axis_name="c", subcore_axis_name="s")

    @functools.partial(
        pl.kernel,
        mesh=mesh,
        out_type=jax.ShapeDtypeStruct((n, d), jnp.float32),
        compiler_params=pltpu.CompilerParams(needs_layout_passes=False),
        scratch_types=[
            pltpu.VMEM((n_ch, _CHUNK), jnp.int32),
            pltpu.VMEM((2, _CHUNK, d), jnp.float32),
            pltpu.VMEM((2, _CHUNK, 128), jnp.float32),
            pltpu.SemaphoreType.DMA,
            pltpu.SemaphoreType.DMA,
            pltpu.SemaphoreType.DMA,
            pltpu.SemaphoreType.DMA,
        ],
    )
    def lookup(
        idx_hbm, table_hbm, tail_hbm, out_hbm,
        idx_v, rows_v, tail_v, semA0, semA1, semB0, semB1,
    ):
        wid = lax.axis_index("s") * nc + lax.axis_index("c")
        base = wid * per_w
        pltpu.sync_copy(idx_hbm.at[wid], idx_v)
        semsA = (semA0, semA1)
        semsB = (semB0, semB1)
        table_main = table_hbm.at[:, pl.ds(0, _ALIGNED)]
        lanes = lax.iota(jnp.int32, 16)
        tail_rem = tail - 32
        rem_mask = lanes < tail_rem
        rem_cols = _ALIGNED + 32 + lanes

        def start(ch, b):
            pltpu.async_copy(
                table_main.at[idx_v.at[ch]],
                rows_v.at[b, :, pl.ds(0, _ALIGNED)],
                semsA[b],
            )
            pltpu.async_copy(tail_hbm.at[idx_v.at[ch]], tail_v.at[b], semsB[b])

        def wait(ch, b):
            pltpu.make_async_copy(
                table_main.at[idx_v.at[ch]],
                rows_v.at[b, :, pl.ds(0, _ALIGNED)],
                semsA[b],
            ).wait()
            pltpu.make_async_copy(
                tail_hbm.at[idx_v.at[ch]], tail_v.at[b], semsB[b]
            ).wait()

        for b in range(2):
            start(b, b)

        def step(i, carry):
            g = i * 2
            for b in range(2):
                ch = g + b
                wait(ch, b)
                b_ix = jnp.full((16,), b, jnp.int32)

                def repack(r, c2):
                    rows_v[b, r, pl.ds(_ALIGNED, 16)] = tail_v[b, r, pl.ds(0, 16)]
                    rows_v[b, r, pl.ds(_ALIGNED + 16, 16)] = tail_v[
                        b, r, pl.ds(16, 16)
                    ]
                    plsc.store_scatter(
                        rows_v,
                        [b_ix, jnp.full((16,), r, jnp.int32), rem_cols],
                        tail_v[b, r, pl.ds(32, 16)],
                        mask=rem_mask,
                    )
                    return c2

                lax.fori_loop(0, _CHUNK, repack, 0)
                pltpu.sync_copy(
                    rows_v.at[b],
                    out_hbm.at[pl.ds(base + ch * _CHUNK, _CHUNK)],
                )

                @pl.when(ch + 2 < n_ch)
                def _():
                    start(ch + 2, b)

            return carry

        lax.fori_loop(0, n_ch // 2, step, 0)

    return lookup(idx, table, table_tail)


def kernel(batch, table):
    b, s = batch.shape
    _, d = table.shape
    n = b * s
    info = plsc.get_sparse_core_info()
    nc, ns = info.num_cores, info.num_subcores
    nw = nc * ns
    n_ch = n // (nw * _CHUNK)
    idx = batch.reshape(nw, n_ch, _CHUNK)
    tail = d - _ALIGNED
    table_tail = jnp.pad(table[:, _ALIGNED:], ((0, 0), (0, 128 - tail)))
    out = _lookup(idx, table, table_tail, d, nc, ns)
    return out.reshape(b, s, d)

# --- scband reference (transcript-rebuilt; emitter-appended) ---
"""Pipeline reference for scband-single-embedder-81312320848158 (READ-ONLY COPY).

The authoritative reference and input builder live on the scoring server;
editing this copy changes nothing except your own understanding.
"""

import jax, jax.numpy as jnp
import numpy as np

VOCAB = 100000
EMBED_DIM = 300
BATCH = 4096
SEQ = 200


def setup_inputs(seed: int = 0) -> dict:
    key = jax.random.key(seed)
    k1, k2 = jax.random.split(key)
    batch = jax.random.randint(k1, (BATCH, SEQ), 0, VOCAB, dtype=jnp.int64 if jax.config.jax_enable_x64 else jnp.int32).astype(jnp.int32)
    table = jax.random.normal(k2, (VOCAB, EMBED_DIM), dtype=jnp.float32)
    return {"batch": batch, "table": table}


def reference(batch, table):
    # SingleEmbedder.forward: self.embed(batch) -> gather rows of pretrained table
    return jnp.take(table, batch, axis=0)

if __name__ == "__main__":
    import jax
    _d = setup_inputs()
    print(jax.jit(kernel)(*tuple(_d.values())))

</pallas_src>

<mosaic_0001>
#map = affine_map<(d0, d1) -> (0, 0, 0)>
#map1 = affine_map<(d0, d1) -> (0, 0)>
module attributes {stable_mosaic.version = 14 : i64} {
  func.func @lookup(%arg0: i32, %arg1: i32, %arg2: memref<32x320x80xi32, #tpu.memory_space<hbm>>, %arg3: memref<100000x300xf32, #tpu.memory_space<hbm>>, %arg4: memref<100000x128xf32, #tpu.memory_space<hbm>>, %arg5: memref<819200x300xf32, #tpu.memory_space<hbm>>, %arg6: memref<320x80xi32, #tpu.memory_space<vmem>>, %arg7: memref<2x80x300xf32, #tpu.memory_space<vmem>>, %arg8: memref<2x80x128xf32, #tpu.memory_space<vmem>>, %arg9: memref<!tpu.dma_semaphore, #tpu.memory_space<semaphore_mem>>, %arg10: memref<!tpu.dma_semaphore, #tpu.memory_space<semaphore_mem>>, %arg11: memref<!tpu.dma_semaphore, #tpu.memory_space<semaphore_mem>>, %arg12: memref<!tpu.dma_semaphore, #tpu.memory_space<semaphore_mem>>) attributes {dimension_semantics = [#tpu.dimension_semantics<core_parallel>, #tpu.dimension_semantics<subcore_parallel>], iteration_bounds = array<i64: 2, 16>, scalar_prefetch = 0 : i64, scratch_operands = 7 : i64, tpu.core_type = #tpu.core_type<sc_vector_subcore>, window_params = [{transform_indices = #map}, {transform_indices = #map1}, {transform_indices = #map1}, {transform_indices = #map1}]} {
    %mul3A = arith.constant 2 : i32
    %mul3A_0 = arith.muli %arg1, %mul3A : i32
    %add3A = arith.addi %mul3A_0, %arg0 : i32
    %mul3A_1 = arith.constant 25600 : i32
    %mul3A_2 = arith.muli %add3A, %mul3A_1 : i32
    "tpu.region"() ({
      %run_scoped3A = tpu.sem_alloc : memref<!tpu.dma_semaphore, #tpu.memory_space<semaphore_mem>>
      %dma_start3A_66 = arith.constant 0 : i32
      %dma_start3A_67 = arith.constant 0 : i32
      %dma_start3A_68 = tpu.memref_slice %arg2[%add3A, %dma_start3A_66, %dma_start3A_67] : memref<32x320x80xi32, #tpu.memory_space<hbm>> -> memref<1x320x80xi32, #tpu.memory_space<hbm>>
      %dma_start3A_69 = tpu.memref_squeeze %dma_start3A_68 : memref<1x320x80xi32, #tpu.memory_space<hbm>> -> memref<320x80xi32, #tpu.memory_space<hbm>>
      %dma_start3A_70 = arith.constant 0 : i32
      %dma_start3A_71 = arith.constant 0 : i32
      %dma_start3A_72 = tpu.memref_slice %arg2[%add3A, %dma_start3A_70, %dma_start3A_71] : memref<32x320x80xi32, #tpu.memory_space<hbm>> -> memref<1x320x80xi32, #tpu.memory_space<hbm>>
      %dma_start3A_73 = tpu.memref_squeeze %dma_start3A_72 : memref<1x320x80xi32, #tpu.memory_space<hbm>> -> memref<320x80xi32, #tpu.memory_space<hbm>>
      tpu.enqueue_dma source(%dma_start3A_73 : memref<320x80xi32, #tpu.memory_space<hbm>>) target(%arg6 : memref<320x80xi32, #tpu.memory_space<vmem>>) target_semaphore(%run_scoped3A : memref<!tpu.dma_semaphore, #tpu.memory_space<semaphore_mem>>)
      %dma_wait3A = arith.constant 0 : i32
      %dma_wait3A_74 = arith.constant 0 : i32
      %dma_wait3A_75 = tpu.memref_slice %arg2[%add3A, %dma_wait3A, %dma_wait3A_74] : memref<32x320x80xi32, #tpu.memory_space<hbm>> -> memref<1x320x80xi32, #tpu.memory_space<hbm>>
      %dma_wait3A_76 = tpu.memref_squeeze %dma_wait3A_75 : memref<1x320x80xi32, #tpu.memory_space<hbm>> -> memref<320x80xi32, #tpu.memory_space<hbm>>
      %dma_wait3A_77 = arith.constant 0 : i32
      %dma_wait3A_78 = arith.constant 0 : i32
      %dma_wait3A_79 = tpu.memref_slice %arg2[%add3A, %dma_wait3A_77, %dma_wait3A_78] : memref<32x320x80xi32, #tpu.memory_space<hbm>> -> memref<1x320x80xi32, #tpu.memory_space<hbm>>
      %dma_wait3A_80 = tpu.memref_squeeze %dma_wait3A_79 : memref<1x320x80xi32, #tpu.memory_space<hbm>> -> memref<320x80xi32, #tpu.memory_space<hbm>>
      tpu.wait_dma2 semaphore(%run_scoped3A : memref<!tpu.dma_semaphore, #tpu.memory_space<semaphore_mem>>) src(%dma_wait3A_80 : memref<320x80xi32, #tpu.memory_space<hbm>>) dst(%arg6 : memref<320x80xi32, #tpu.memory_space<vmem>>)
      tpu.yield
    }) : () -> ()
    %iota3A = tpu.iota {dimensions = array<i32: 0>} : vector<16xi32>
    %lt3A = arith.constant 12 : i32
    %lt3A_3 = vector.broadcast %lt3A : i32 to vector<16xi32>
    %lt3A_4 = arith.cmpi slt, %iota3A, %lt3A_3 : vector<16xi32>
    %add3A_5 = arith.constant 288 : i32
    %add3A_6 = vector.broadcast %add3A_5 : i32 to vector<16xi32>
    %add3A_7 = arith.addi %add3A_6, %iota3A : vector<16xi32>
    %dma_start3A = arith.constant 0 : i32
    %dma_start3A_8 = arith.constant 0 : i32
    %dma_start3A_9 = arith.constant 0 : i32
    %dma_start3A_10 = arith.constant 0 : i32
    %dma_start3A_11 = tpu.memref_slice %arg7[%dma_start3A_8, %dma_start3A_9, %dma_start3A_10] : memref<2x80x300xf32, #tpu.memory_space<vmem>> -> memref<1x80x256xf32, #tpu.memory_space<vmem>>
    %dma_start3A_12 = tpu.memref_squeeze %dma_start3A_11 : memref<1x80x256xf32, #tpu.memory_space<vmem>> -> memref<80x256xf32, #tpu.memory_space<vmem>>
    %dma_start3A_13 = arith.constant 0 : i32
    %dma_start3A_14 = tpu.memref_slice %arg6[%dma_start3A, %dma_start3A_13] : memref<320x80xi32, #tpu.memory_space<vmem>> -> memref<1x80xi32, #tpu.memory_space<vmem>>
    %dma_start3A_15 = tpu.memref_squeeze %dma_start3A_14 : memref<1x80xi32, #tpu.memory_space<vmem>> -> memref<80xi32, #tpu.memory_space<vmem>>
    %dma_start3A_16 = arith.constant 0 : i32
    %dma_start3A_17 = arith.constant 0 : i32
    %dma_start3A_18 = tpu.memref_slice %arg3[%dma_start3A_16, %dma_start3A_17] : memref<100000x300xf32, #tpu.memory_space<hbm>> -> memref<100000x256xf32, #tpu.memory_space<hbm>>
    %dma_start3A_19 = arith.constant 0 : i32
    %dma_start3A_20 = arith.constant 0 : i32
    %dma_start3A_21 = tpu.memref_slice %dma_start3A_18[%dma_start3A_19, %dma_start3A_20] : memref<100000x256xf32, #tpu.memory_space<hbm>> -> memref<100000x256xf32, #tpu.memory_space<hbm>>
    tpu.enqueue_indirect_dma source(%dma_start3A_21 : memref<100000x256xf32, #tpu.memory_space<hbm>>) target(%dma_start3A_12 : memref<80x256xf32, #tpu.memory_space<vmem>>) offsets(%dma_start3A_15 : memref<80xi32, #tpu.memory_space<vmem>>) semaphore(%arg9 : memref<!tpu.dma_semaphore, #tpu.memory_space<semaphore_mem>>)
    %dma_start3A_22 = arith.constant 0 : i32
    %dma_start3A_23 = arith.constant 0 : i32
    %dma_start3A_24 = arith.constant 0 : i32
    %dma_start3A_25 = arith.constant 0 : i32
    %dma_start3A_26 = tpu.memref_slice %arg8[%dma_start3A_23, %dma_start3A_24, %dma_start3A_25] : memref<2x80x128xf32, #tpu.memory_space<vmem>> -> memref<1x80x128xf32, #tpu.memory_space<vmem>>
    %dma_start3A_27 = tpu.memref_squeeze %dma_start3A_26 : memref<1x80x128xf32, #tpu.memory_space<vmem>> -> memref<80x128xf32, #tpu.memory_space<vmem>>
    %dma_start3A_28 = arith.constant 0 : i32
    %dma_start3A_29 = tpu.memref_slice %arg6[%dma_start3A_22, %dma_start3A_28] : memref<320x80xi32, #tpu.memory_space<vmem>> -> memref<1x80xi32, #tpu.memory_space<vmem>>
    %dma_start3A_30 = tpu.memref_squeeze %dma_start3A_29 : memref<1x80xi32, #tpu.memory_space<vmem>> -> memref<80xi32, #tpu.memory_space<vmem>>
    %dma_start3A_31 = arith.constant 0 : i32
    %dma_start3A_32 = arith.constant 0 : i32
    %dma_start3A_33 = tpu.memref_slice %arg4[%dma_start3A_31, %dma_start3A_32] : memref<100000x128xf32, #tpu.memory_space<hbm>> -> memref<100000x128xf32, #tpu.memory_space<hbm>>
    tpu.enqueue_indirect_dma source(%dma_start3A_33 : memref<100000x128xf32, #tpu.memory_space<hbm>>) target(%dma_start3A_27 : memref<80x128xf32, #tpu.memory_space<vmem>>) offsets(%dma_start3A_30 : memref<80xi32, #tpu.memory_space<vmem>>) semaphore(%arg11 : memref<!tpu.dma_semaphore, #tpu.memory_space<semaphore_mem>>)
    %dma_start3A_34 = arith.constant 1 : i32
    %dma_start3A_35 = arith.constant 1 : i32
    %dma_start3A_36 = arith.constant 0 : i32
    %dma_start3A_37 = arith.constant 0 : i32
    %dma_start3A_38 = tpu.memref_slice %arg7[%dma_start3A_35, %dma_start3A_36, %dma_start3A_37] : memref<2x80x300xf32, #tpu.memory_space<vmem>> -> memref<1x80x256xf32, #tpu.memory_space<vmem>>
    %dma_start3A_39 = tpu.memref_squeeze %dma_start3A_38 : memref<1x80x256xf32, #tpu.memory_space<vmem>> -> memref<80x256xf32, #tpu.memory_space<vmem>>
    %dma_start3A_40 = arith.constant 0 : i32
    %dma_start3A_41 = tpu.memref_slice %arg6[%dma_start3A_34, %dma_start3A_40] : memref<320x80xi32, #tpu.memory_space<vmem>> -> memref<1x80xi32, #tpu.memory_space<vmem>>
    %dma_start3A_42 = tpu.memref_squeeze %dma_start3A_41 : memref<1x80xi32, #tpu.memory_space<vmem>> -> memref<80xi32, #tpu.memory_space<vmem>>
    %dma_start3A_43 = arith.constant 0 : i32
    %dma_start3A_44 = arith.constant 0 : i32
    %dma_start3A_45 = tpu.memref_slice %arg3[%dma_start3A_43, %dma_start3A_44] : memref<100000x300xf32, #tpu.memory_space<hbm>> -> memref<100000x256xf32, #tpu.memory_space<hbm>>
    %dma_start3A_46 = arith.constant 0 : i32
    %dma_start3A_47 = arith.constant 0 : i32
    %dma_start3A_48 = tpu.memref_slice %dma_start3A_45[%dma_start3A_46, %dma_start3A_47] : memref<100000x256xf32, #tpu.memory_space<hbm>> -> memref<100000x256xf32, #tpu.memory_space<hbm>>
    tpu.enqueue_indirect_dma source(%dma_start3A_48 : memref<100000x256xf32, #tpu.memory_space<hbm>>) target(%dma_start3A_39 : memref<80x256xf32, #tpu.memory_space<vmem>>) offsets(%dma_start3A_42 : memref<80xi32, #tpu.memory_space<vmem>>) semaphore(%arg10 : memref<!tpu.dma_semaphore, #tpu.memory_space<semaphore_mem>>)
    %dma_start3A_49 = arith.constant 1 : i32
    %dma_start3A_50 = arith.constant 1 : i32
    %dma_start3A_51 = arith.constant 0 : i32
    %dma_start3A_52 = arith.constant 0 : i32
    %dma_start3A_53 = tpu.memref_slice %arg8[%dma_start3A_50, %dma_start3A_51, %dma_start3A_52] : memref<2x80x128xf32, #tpu.memory_space<vmem>> -> memref<1x80x128xf32, #tpu.memory_space<vmem>>
    %dma_start3A_54 = tpu.memref_squeeze %dma_start3A_53 : memref<1x80x128xf32, #tpu.memory_space<vmem>> -> memref<80x128xf32, #tpu.memory_space<vmem>>
    %dma_start3A_55 = arith.constant 0 : i32
    %dma_start3A_56 = tpu.memref_slice %arg6[%dma_start3A_49, %dma_start3A_55] : memref<320x80xi32, #tpu.memory_space<vmem>> -> memref<1x80xi32, #tpu.memory_space<vmem>>
    %dma_start3A_57 = tpu.memref_squeeze %dma_start3A_56 : memref<1x80xi32, #tpu.memory_space<vmem>> -> memref<80xi32, #tpu.memory_space<vmem>>
    %dma_start3A_58 = arith.constant 0 : i32
    %dma_start3A_59 = arith.constant 0 : i32
    %dma_start3A_60 = tpu.memref_slice %arg4[%dma_start3A_58, %dma_start3A_59] : memref<100000x128xf32, #tpu.memory_space<hbm>> -> memref<100000x128xf32, #tpu.memory_space<hbm>>
    tpu.enqueue_indirect_dma source(%dma_start3A_60 : memref<100000x128xf32, #tpu.memory_space<hbm>>) target(%dma_start3A_54 : memref<80x128xf32, #tpu.memory_space<vmem>>) offsets(%dma_start3A_57 : memref<80xi32, #tpu.memory_space<vmem>>) semaphore(%arg12 : memref<!tpu.dma_semaphore, #tpu.memory_space<semaphore_mem>>)
    %scan3A = arith.constant 0 : i32
    %scan3A_61 = arith.constant 0 : i32
    %scan3A_62 = arith.constant 160 : i32
    %scan3A_63 = arith.addi %scan3A_61, %scan3A_62 : i32
    %scan3A_64 = arith.constant 1 : i32
    scf.for %scan3A_66 = %scan3A_61 to %scan3A_63 step %scan3A_64  : i32 {
      %mul3A_67 = arith.constant 2 : i32
      %mul3A_68 = arith.muli %scan3A_66, %mul3A_67 : i32
      %add3A_69 = arith.constant 0 : i32
      %add3A_70 = arith.addi %mul3A_68, %add3A_69 : i32
      %dma_wait3A = arith.constant 0 : i32
      %dma_wait3A_71 = arith.constant 0 : i32
      %dma_wait3A_72 = arith.constant 0 : i32
      %dma_wait3A_73 = tpu.memref_slice %arg7[%dma_wait3A, %dma_wait3A_71, %dma_wait3A_72] : memref<2x80x300xf32, #tpu.memory_space<vmem>> -> memref<1x80x256xf32, #tpu.memory_space<vmem>>
      %dma_wait3A_74 = tpu.memref_squeeze %dma_wait3A_73 : memref<1x80x256xf32, #tpu.memory_space<vmem>> -> memref<80x256xf32, #tpu.memory_space<vmem>>
      %dma_wait3A_75 = arith.constant 0 : i32
      %dma_wait3A_76 = tpu.memref_slice %arg6[%add3A_70, %dma_wait3A_75] : memref<320x80xi32, #tpu.memory_space<vmem>> -> memref<1x80xi32, #tpu.memory_space<vmem>>
      %dma_wait3A_77 = tpu.memref_squeeze %dma_wait3A_76 : memref<1x80xi32, #tpu.memory_space<vmem>> -> memref<80xi32, #tpu.memory_space<vmem>>
      %dma_wait3A_78 = arith.constant 0 : i32
      %dma_wait3A_79 = arith.constant 0 : i32
      %dma_wait3A_80 = tpu.memref_slice %arg3[%dma_wait3A_78, %dma_wait3A_79] : memref<100000x300xf32, #tpu.memory_space<hbm>> -> memref<100000x256xf32, #tpu.memory_space<hbm>>
      %dma_wait3A_81 = arith.constant 0 : i32
      %dma_wait3A_82 = arith.constant 0 : i32
      %dma_wait3A_83 = tpu.memref_slice %dma_wait3A_80[%dma_wait3A_81, %dma_wait3A_82] : memref<100000x256xf32, #tpu.memory_space<hbm>> -> memref<100000x256xf32, #tpu.memory_space<hbm>>
      tpu.wait_indirect_dma semaphore(%arg9 : memref<!tpu.dma_semaphore, #tpu.memory_space<semaphore_mem>>) src(%dma_wait3A_83 : memref<100000x256xf32, #tpu.memory_space<hbm>>) dst(%dma_wait3A_74 : memref<80x256xf32, #tpu.memory_space<vmem>>)
      %dma_wait3A_84 = arith.constant 0 : i32
      %dma_wait3A_85 = arith.constant 0 : i32
      %dma_wait3A_86 = arith.constant 0 : i32
      %dma_wait3A_87 = tpu.memref_slice %arg8[%dma_wait3A_84, %dma_wait3A_85, %dma_wait3A_86] : memref<2x80x128xf32, #tpu.memory_space<vmem>> -> memref<1x80x128xf32, #tpu.memory_space<vmem>>
      %dma_wait3A_88 = tpu.memref_squeeze %dma_wait3A_87 : memref<1x80x128xf32, #tpu.memory_space<vmem>> -> memref<80x128xf32, #tpu.memory_space<vmem>>
      %dma_wait3A_89 = arith.constant 0 : i32
      %dma_wait3A_90 = tpu.memref_slice %arg6[%add3A_70, %dma_wait3A_89] : memref<320x80xi32, #tpu.memory_space<vmem>> -> memref<1x80xi32, #tpu.memory_space<vmem>>
      %dma_wait3A_91 = tpu.memref_squeeze %dma_wait3A_90 : memref<1x80xi32, #tpu.memory_space<vmem>> -> memref<80xi32, #tpu.memory_space<vmem>>
      %dma_wait3A_92 = arith.constant 0 : i32
      %dma_wait3A_93 = arith.constant 0 : i32
      %dma_wait3A_94 = tpu.memref_slice %arg4[%dma_wait3A_92, %dma_wait3A_93] : memref<100000x128xf32, #tpu.memory_space<hbm>> -> memref<100000x128xf32, #tpu.memory_space<hbm>>
      tpu.wait_indirect_dma semaphore(%arg11 : memref<!tpu.dma_semaphore, #tpu.memory_space<semaphore_mem>>) src(%dma_wait3A_94 : memref<100000x128xf32, #tpu.memory_space<hbm>>) dst(%dma_wait3A_88 : memref<80x128xf32, #tpu.memory_space<vmem>>)
      %broadcast_in_dim3A = arith.constant 0 : i32
      %broadcast_in_dim3A_95 = vector.broadcast %broadcast_in_dim3A : i32 to vector<16xi32>
      %scan3A_96 = arith.constant 0 : i32
      %scan3A_97 = arith.constant 0 : i32
      %scan3A_98 = arith.constant 80 : i32
      %scan3A_99 = arith.addi %scan3A_97, %scan3A_98 : i32
      %scan3A_100 = arith.constant 1 : i32
      scf.for %scan3A_156 = %scan3A_97 to %scan3A_99 step %scan3A_100  : i32 {
        %get3A = arith.constant 0 : i32
        %get3A_157 = arith.index_cast %get3A : i32 to index
        %get3A_158 = arith.index_cast %scan3A_156 : i32 to index
        %get3A_159 = arith.constant 0 : index
        %get3A_160 = tpu.vector_load %arg8[%get3A_157, %get3A_158, %get3A_159] {strides = array<i32>} : memref<2x80x128xf32, #tpu.memory_space<vmem>>, vector<16xf32>,
        %swap3A = arith.constant 0 : i32
        %swap3A_161 = arith.index_cast %swap3A : i32 to index
        %swap3A_162 = arith.index_cast %scan3A_156 : i32 to index
        %swap3A_163 = arith.constant 256 : index
        %swap3A_164 = tpu.vector_load %arg7[%swap3A_161, %swap3A_162, %swap3A_163] {strides = array<i32>} : memref<2x80x300xf32, #tpu.memory_space<vmem>>, vector<16xf32>,
        tpu.vector_store %arg7[%swap3A_161, %swap3A_162, %swap3A_163], %get3A_160 {strides = array<i32>} : memref<2x80x300xf32, #tpu.memory_space<vmem>>, vector<16xf32>,
        %get3A_165 = arith.constant 0 : i32
        %get3A_166 = arith.index_cast %get3A_165 : i32 to index
        %get3A_167 = arith.index_cast %scan3A_156 : i32 to index
        %get3A_168 = arith.constant 16 : index
        %get3A_169 = tpu.vector_load %arg8[%get3A_166, %get3A_167, %get3A_168] {strides = array<i32>} : memref<2x80x128xf32, #tpu.memory_space<vmem>>, vector<16xf32>,
        %swap3A_170 = arith.constant 0 : i32
        %swap3A_171 = arith.index_cast %swap3A_170 : i32 to index
        %swap3A_172 = arith.index_cast %scan3A_156 : i32 to index
        %swap3A_173 = arith.constant 272 : index
        %swap3A_174 = tpu.vector_load %arg7[%swap3A_171, %swap3A_172, %swap3A_173] {strides = array<i32>} : memref<2x80x300xf32, #tpu.memory_space<vmem>>, vector<16xf32>,
        tpu.vector_store %arg7[%swap3A_171, %swap3A_172, %swap3A_173], %get3A_169 {strides = array<i32>} : memref<2x80x300xf32, #tpu.memory_space<vmem>>, vector<16xf32>,
        %broadcast_in_dim3A_175 = vector.broadcast %scan3A_156 : i32 to vector<16xi32>
        %get3A_176 = arith.constant 0 : i32
        %get3A_177 = arith.index_cast %get3A_176 : i32 to index
        %get3A_178 = arith.index_cast %scan3A_156 : i32 to index
        %get3A_179 = arith.constant 32 : index
        %get3A_180 = tpu.vector_load %arg8[%get3A_177, %get3A_178, %get3A_179] {strides = array<i32>} : memref<2x80x128xf32, #tpu.memory_space<vmem>>, vector<16xf32>,
        tpu.vector_store_idx %arg7[%broadcast_in_dim3A_95, %broadcast_in_dim3A_175, %add3A_7], %get3A_180 masked %lt3A_4 : memref<2x80x300xf32, #tpu.memory_space<vmem>>[vector<16xi32>, vector<16xi32>, vector<16xi32>], vector<16xf32>, vector<16xi1>
      }
      %scan3A_101 = arith.constant 80 : i32
      %mul3A_102 = arith.constant 80 : i32
      %mul3A_103 = arith.muli %add3A_70, %mul3A_102 : i32
      %add3A_104 = arith.addi %mul3A_2, %mul3A_103 : i32
      %run_scoped3A = arith.constant 0 : i32
      "tpu.region"() ({
        %run_scoped3A_156 = tpu.sem_alloc : memref<!tpu.dma_semaphore, #tpu.memory_space<semaphore_mem>>
        %dma_start3A_157 = arith.constant 0 : i32
        %dma_start3A_158 = arith.constant 0 : i32
        %dma_start3A_159 = tpu.memref_slice %arg7[%run_scoped3A, %dma_start3A_157, %dma_start3A_158] : memref<2x80x300xf32, #tpu.memory_space<vmem>> -> memref<1x80x300xf32, #tpu.memory_space<vmem>>
        %dma_start3A_160 = tpu.memref_squeeze %dma_start3A_159 : memref<1x80x300xf32, #tpu.memory_space<vmem>> -> memref<80x300xf32, #tpu.memory_space<vmem>>
        %dma_start3A_161 = arith.constant 0 : i32
        %dma_start3A_162 = tpu.memref_slice %arg5[%add3A_104, %dma_start3A_161] : memref<819200x300xf32, #tpu.memory_space<hbm>> -> memref<80x300xf32, #tpu.memory_space<hbm>>
        %dma_start3A_163 = arith.constant 0 : i32
        %dma_start3A_164 = tpu.memref_slice %arg5[%add3A_104, %dma_start3A_163] : memref<819200x300xf32, #tpu.memory_space<hbm>> -> memref<80x300xf32, #tpu.memory_space<hbm>>
        %dma_start3A_165 = arith.constant 0 : i32
        %dma_start3A_166 = arith.constant 0 : i32
        %dma_start3A_167 = tpu.memref_slice %arg7[%run_scoped3A, %dma_start3A_165, %dma_start3A_166] : memref<2x80x300xf32, #tpu.memory_space<vmem>> -> memref<1x80x300xf32, #tpu.memory_space<vmem>>
        %dma_start3A_168 = tpu.memref_squeeze %dma_start3A_167 : memref<1x80x300xf32, #tpu.memory_space<vmem>> -> memref<80x300xf32, #tpu.memory_space<vmem>>
        tpu.enqueue_dma source(%dma_start3A_168 : memref<80x300xf32, #tpu.memory_space<vmem>>) target(%dma_start3A_164 : memref<80x300xf32, #tpu.memory_space<hbm>>) target_semaphore(%run_scoped3A_156 : memref<!tpu.dma_semaphore, #tpu.memory_space<semaphore_mem>>)
        %dma_wait3A_169 = arith.constant 0 : i32
        %dma_wait3A_170 = arith.constant 0 : i32
        %dma_wait3A_171 = tpu.memref_slice %arg7[%run_scoped3A, %dma_wait3A_169, %dma_wait3A_170] : memref<2x80x300xf32, #tpu.memory_space<vmem>> -> memref<1x80x300xf32, #tpu.memory_space<vmem>>
        %dma_wait3A_172 = tpu.memref_squeeze %dma_wait3A_171 : memref<1x80x300xf32, #tpu.memory_space<vmem>> -> memref<80x300xf32, #tpu.memory_space<vmem>>
        %dma_wait3A_173 = arith.constant 0 : i32
        %dma_wait3A_174 = tpu.memref_slice %arg5[%add3A_104, %dma_wait3A_173] : memref<819200x300xf32, #tpu.memory_space<hbm>> -> memref<80x300xf32, #tpu.memory_space<hbm>>
        %dma_wait3A_175 = arith.constant 0 : i32
        %dma_wait3A_176 = tpu.memref_slice %arg5[%add3A_104, %dma_wait3A_175] : memref<819200x300xf32, #tpu.memory_space<hbm>> -> memref<80x300xf32, #tpu.memory_space<hbm>>
        %dma_wait3A_177 = arith.constant 0 : i32
        %dma_wait3A_178 = arith.constant 0 : i32
        %dma_wait3A_179 = tpu.memref_slice %arg7[%run_scoped3A, %dma_wait3A_177, %dma_wait3A_178] : memref<2x80x300xf32, #tpu.memory_space<vmem>> -> memref<1x80x300xf32, #tpu.memory_space<vmem>>
        %dma_wait3A_180 = tpu.memref_squeeze %dma_wait3A_179 : memref<1x80x300xf32, #tpu.memory_space<vmem>> -> memref<80x300xf32, #tpu.memory_space<vmem>>
        tpu.wait_dma2 semaphore(%run_scoped3A_156 : memref<!tpu.dma_semaphore, #tpu.memory_space<semaphore_mem>>) src(%dma_wait3A_180 : memref<80x300xf32, #tpu.memory_space<vmem>>) dst(%dma_wait3A_176 : memref<80x300xf32, #tpu.memory_space<hbm>>)
        tpu.yield
      }) : () -> ()
      %add3A_105 = arith.constant 2 : i32
      %add3A_106 = arith.addi %add3A_70, %add3A_105 : i32
      %lt3A_107 = arith.constant 320 : i32
      %lt3A_108 = arith.cmpi slt, %add3A_106, %lt3A_107 : i32
      %convert_element_type3A = arith.extui %lt3A_108 : i1 to i32
      %cond3A = arith.constant 0 : i32
      %cond3A_109 = arith.cmpi ne, %convert_element_type3A, %cond3A : i32
      scf.if %cond3A_109 {
        %add3A_156 = arith.constant 2 : i32
        %add3A_157 = arith.addi %add3A_70, %add3A_156 : i32
        %dma_start3A_158 = arith.constant 0 : i32
        %dma_start3A_159 = arith.constant 0 : i32
        %dma_start3A_160 = arith.constant 0 : i32
        %dma_start3A_161 = tpu.memref_slice %arg7[%dma_start3A_158, %dma_start3A_159, %dma_start3A_160] : memref<2x80x300xf32, #tpu.memory_space<vmem>> -> memref<1x80x256xf32, #tpu.memory_space<vmem>>
        %dma_start3A_162 = tpu.memref_squeeze %dma_start3A_161 : memref<1x80x256xf32, #tpu.memory_space<vmem>> -> memref<80x256xf32, #tpu.memory_space<vmem>>
        %dma_start3A_163 = arith.constant 0 : i32
        %dma_start3A_164 = tpu.memref_slice %arg6[%add3A_157, %dma_start3A_163] : memref<320x80xi32, #tpu.memory_space<vmem>> -> memref<1x80xi32, #tpu.memory_space<vmem>>
        %dma_start3A_165 = tpu.memref_squeeze %dma_start3A_164 : memref<1x80xi32, #tpu.memory_space<vmem>> -> memref<80xi32, #tpu.memory_space<vmem>>
        %dma_start3A_166 = arith.constant 0 : i32
        %dma_start3A_167 = arith.constant 0 : i32
        %dma_start3A_168 = tpu.memref_slice %arg3[%dma_start3A_166, %dma_start3A_167] : memref<100000x300xf32, #tpu.memory_space<hbm>> -> memref<100000x256xf32, #tpu.memory_space<hbm>>
        %dma_start3A_169 = arith.constant 0 : i32
        %dma_start3A_170 = arith.constant 0 : i32
        %dma_start3A_171 = tpu.memref_slice %dma_start3A_168[%dma_start3A_169, %dma_start3A_170] : memref<100000x256xf32, #tpu.memory_space<hbm>> -> memref<100000x256xf32, #tpu.memory_space<hbm>>
        tpu.enqueue_indirect_dma source(%dma_start3A_171 : memref<100000x256xf32, #tpu.memory_space<hbm>>) target(%dma_start3A_162 : memref<80x256xf32, #tpu.memory_space<vmem>>) offsets(%dma_start3A_165 : memref<80xi32, #tpu.memory_space<vmem>>) semaphore(%arg9 : memref<!tpu.dma_semaphore, #tpu.memory_space<semaphore_mem>>)
        %dma_start3A_172 = arith.constant 0 : i32
        %dma_start3A_173 = arith.constant 0 : i32
        %dma_start3A_174 = arith.constant 0 : i32
        %dma_start3A_175 = tpu.memref_slice %arg8[%dma_start3A_172, %dma_start3A_173, %dma_start3A_174] : memref<2x80x128xf32, #tpu.memory_space<vmem>> -> memref<1x80x128xf32, #tpu.memory_space<vmem>>
        %dma_start3A_176 = tpu.memref_squeeze %dma_start3A_175 : memref<1x80x128xf32, #tpu.memory_space<vmem>> -> memref<80x128xf32, #tpu.memory_space<vmem>>
        %dma_start3A_177 = arith.constant 0 : i32
        %dma_start3A_178 = tpu.memref_slice %arg6[%add3A_157, %dma_start3A_177] : memref<320x80xi32, #tpu.memory_space<vmem>> -> memref<1x80xi32, #tpu.memory_space<vmem>>
        %dma_start3A_179 = tpu.memref_squeeze %dma_start3A_178 : memref<1x80xi32, #tpu.memory_space<vmem>> -> memref<80xi32, #tpu.memory_space<vmem>>
        %dma_start3A_180 = arith.constant 0 : i32
        %dma_start3A_181 = arith.constant 0 : i32
        %dma_start3A_182 = tpu.memref_slice %arg4[%dma_start3A_180, %dma_start3A_181] : memref<100000x128xf32, #tpu.memory_space<hbm>> -> memref<100000x128xf32, #tpu.memory_space<hbm>>
        tpu.enqueue_indirect_dma source(%dma_start3A_182 : memref<100000x128xf32, #tpu.memory_space<hbm>>) target(%dma_start3A_176 : memref<80x128xf32, #tpu.memory_space<vmem>>) offsets(%dma_start3A_179 : memref<80xi32, #tpu.memory_space<vmem>>) semaphore(%arg11 : memref<!tpu.dma_semaphore, #tpu.memory_space<semaphore_mem>>)
      } else {
      }
      %add3A_110 = arith.constant 1 : i32
      %add3A_111 = arith.addi %mul3A_68, %add3A_110 : i32
      %dma_wait3A_112 = arith.constant 1 : i32
      %dma_wait3A_113 = arith.constant 0 : i32
      %dma_wait3A_114 = arith.constant 0 : i32
      %dma_wait3A_115 = tpu.memref_slice %arg7[%dma_wait3A_112, %dma_wait3A_113, %dma_wait3A_114] : memref<2x80x300xf32, #tpu.memory_space<vmem>> -> memref<1x80x256xf32, #tpu.memory_space<vmem>>
      %dma_wait3A_116 = tpu.memref_squeeze %dma_wait3A_115 : memref<1x80x256xf32, #tpu.memory_space<vmem>> -> memref<80x256xf32, #tpu.memory_space<vmem>>
      %dma_wait3A_117 = arith.constant 0 : i32
      %dma_wait3A_118 = tpu.memref_slice %arg6[%add3A_111, %dma_wait3A_117] : memref<320x80xi32, #tpu.memory_space<vmem>> -> memref<1x80xi32, #tpu.memory_space<vmem>>
      %dma_wait3A_119 = tpu.memref_squeeze %dma_wait3A_118 : memref<1x80xi32, #tpu.memory_space<vmem>> -> memref<80xi32, #tpu.memory_space<vmem>>
      %dma_wait3A_120 = arith.constant 0 : i32
      %dma_wait3A_121 = arith.constant 0 : i32
      %dma_wait3A_122 = tpu.memref_slice %arg3[%dma_wait3A_120, %dma_wait3A_121] : memref<100000x300xf32, #tpu.memory_space<hbm>> -> memref<100000x256xf32, #tpu.memory_space<hbm>>
      %dma_wait3A_123 = arith.constant 0 : i32
      %dma_wait3A_124 = arith.constant 0 : i32
      %dma_wait3A_125 = tpu.memref_slice %dma_wait3A_122[%dma_wait3A_123, %dma_wait3A_124] : memref<100000x256xf32, #tpu.memory_space<hbm>> -> memref<100000x256xf32, #tpu.memory_space<hbm>>
      tpu.wait_indirect_dma semaphore(%arg10 : memref<!tpu.dma_semaphore, #tpu.memory_space<semaphore_mem>>) src(%dma_wait3A_125 : memref<100000x256xf32, #tpu.memory_space<hbm>>) dst(%dma_wait3A_116 : memref<80x256xf32, #tpu.memory_space<vmem>>)
      %dma_wait3A_126 = arith.constant 1 : i32
      %dma_wait3A_127 = arith.constant 0 : i32
      %dma_wait3A_128 = arith.constant 0 : i32
      %dma_wait3A_129 = tpu.memref_slice %arg8[%dma_wait3A_126, %dma_wait3A_127, %dma_wait3A_128] : memref<2x80x128xf32, #tpu.memory_space<vmem>> -> memref<1x80x128xf32, #tpu.memory_space<vmem>>
      %dma_wait3A_130 = tpu.memref_squeeze %dma_wait3A_129 : memref<1x80x128xf32, #tpu.memory_space<vmem>> -> memref<80x128xf32, #tpu.memory_space<vmem>>
      %dma_wait3A_131 = arith.constant 0 : i32
      %dma_wait3A_132 = tpu.memref_slice %arg6[%add3A_111, %dma_wait3A_131] : memref<320x80xi32, #tpu.memory_space<vmem>> -> memref<1x80xi32, #tpu.memory_space<vmem>>
      %dma_wait3A_133 = tpu.memref_squeeze %dma_wait3A_132 : memref<1x80xi32, #tpu.memory_space<vmem>> -> memref<80xi32, #tpu.memory_space<vmem>>
      %dma_wait3A_134 = arith.constant 0 : i32
      %dma_wait3A_135 = arith.constant 0 : i32
      %dma_wait3A_136 = tpu.memref_slice %arg4[%dma_wait3A_134, %dma_wait3A_135] : memref<100000x128xf32, #tpu.memory_space<hbm>> -> memref<100000x128xf32, #tpu.memory_space<hbm>>
      tpu.wait_indirect_dma semaphore(%arg12 : memref<!tpu.dma_semaphore, #tpu.memory_space<semaphore_mem>>) src(%dma_wait3A_136 : memref<100000x128xf32, #tpu.memory_space<hbm>>) dst(%dma_wait3A_130 : memref<80x128xf32, #tpu.memory_space<vmem>>)
      %broadcast_in_dim3A_137 = arith.constant 1 : i32
      %broadcast_in_dim3A_138 = vector.broadcast %broadcast_in_dim3A_137 : i32 to vector<16xi32>
      %scan3A_139 = arith.constant 0 : i32
      %scan3A_140 = arith.constant 0 : i32
      %scan3A_141 = arith.constant 80 : i32
      %scan3A_142 = arith.addi %scan3A_140, %scan3A_141 : i32
      %scan3A_143 = arith.constant 1 : i32
      scf.for %scan3A_156 = %scan3A_140 to %scan3A_142 step %scan3A_143  : i32 {
        %get3A = arith.constant 1 : i32
        %get3A_157 = arith.index_cast %get3A : i32 to index
        %get3A_158 = arith.index_cast %scan3A_156 : i32 to index
        %get3A_159 = arith.constant 0 : index
        %get3A_160 = tpu.vector_load %arg8[%get3A_157, %get3A_158, %get3A_159] {strides = array<i32>} : memref<2x80x128xf32, #tpu.memory_space<vmem>>, vector<16xf32>,
        %swap3A = arith.constant 1 : i32
        %swap3A_161 = arith.index_cast %swap3A : i32 to index
        %swap3A_162 = arith.index_cast %scan3A_156 : i32 to index
        %swap3A_163 = arith.constant 256 : index
        %swap3A_164 = tpu.vector_load %arg7[%swap3A_161, %swap3A_162, %swap3A_163] {strides = array<i32>} : memref<2x80x300xf32, #tpu.memory_space<vmem>>, vector<16xf32>,
        tpu.vector_store %arg7[%swap3A_161, %swap3A_162, %swap3A_163], %get3A_160 {strides = array<i32>} : memref<2x80x300xf32, #tpu.memory_space<vmem>>, vector<16xf32>,
        %get3A_165 = arith.constant 1 : i32
        %get3A_166 = arith.index_cast %get3A_165 : i32 to index
        %get3A_167 = arith.index_cast %scan3A_156 : i32 to index
        %get3A_168 = arith.constant 16 : index
        %get3A_169 = tpu.vector_load %arg8[%get3A_166, %get3A_167, %get3A_168] {strides = array<i32>} : memref<2x80x128xf32, #tpu.memory_space<vmem>>, vector<16xf32>,
        %swap3A_170 = arith.constant 1 : i32
        %swap3A_171 = arith.index_cast %swap3A_170 : i32 to index
        %swap3A_172 = arith.index_cast %scan3A_156 : i32 to index
        %swap3A_173 = arith.constant 272 : index
        %swap3A_174 = tpu.vector_load %arg7[%swap3A_171, %swap3A_172, %swap3A_173] {strides = array<i32>} : memref<2x80x300xf32, #tpu.memory_space<vmem>>, vector<16xf32>,
        tpu.vector_store %arg7[%swap3A_171, %swap3A_172, %swap3A_173], %get3A_169 {strides = array<i32>} : memref<2x80x300xf32, #tpu.memory_space<vmem>>, vector<16xf32>,
        %broadcast_in_dim3A_175 = vector.broadcast %scan3A_156 : i32 to vector<16xi32>
        %get3A_176 = arith.constant 1 : i32
        %get3A_177 = arith.index_cast %get3A_176 : i32 to index
        %get3A_178 = arith.index_cast %scan3A_156 : i32 to index
        %get3A_179 = arith.constant 32 : index
        %get3A_180 = tpu.vector_load %arg8[%get3A_177, %get3A_178, %get3A_179] {strides = array<i32>} : memref<2x80x128xf32, #tpu.memory_space<vmem>>, vector<16xf32>,
        tpu.vector_store_idx %arg7[%broadcast_in_dim3A_138, %broadcast_in_dim3A_175, %add3A_7], %get3A_180 masked %lt3A_4 : memref<2x80x300xf32, #tpu.memory_space<vmem>>[vector<16xi32>, vector<16xi32>, vector<16xi32>], vector<16xf32>, vector<16xi1>
      }
      %scan3A_144 = arith.constant 80 : i32
      %mul3A_145 = arith.constant 80 : i32
      %mul3A_146 = arith.muli %add3A_111, %mul3A_145 : i32
      %add3A_147 = arith.addi %mul3A_2, %mul3A_146 : i32
      %run_scoped3A_148 = arith.constant 1 : i32
      "tpu.region"() ({
        %run_scoped3A_156 = tpu.sem_alloc : memref<!tpu.dma_semaphore, #tpu.memory_space<semaphore_mem>>
        %dma_start3A_157 = arith.constant 0 : i32
        %dma_start3A_158 = arith.constant 0 : i32
        %dma_start3A_159 = tpu.memref_slice %arg7[%run_scoped3A_148, %dma_start3A_157, %dma_start3A_158] : memref<2x80x300xf32, #tpu.memory_space<vmem>> -> memref<1x80x300xf32, #tpu.memory_space<vmem>>
        %dma_start3A_160 = tpu.memref_squeeze %dma_start3A_159 : memref<1x80x300xf32, #tpu.memory_space<vmem>> -> memref<80x300xf32, #tpu.memory_space<vmem>>
        %dma_start3A_161 = arith.constant 0 : i32
        %dma_start3A_162 = tpu.memref_slice %arg5[%add3A_147, %dma_start3A_161] : memref<819200x300xf32, #tpu.memory_space<hbm>> -> memref<80x300xf32, #tpu.memory_space<hbm>>
        %dma_start3A_163 = arith.constant 0 : i32
        %dma_start3A_164 = tpu.memref_slice %arg5[%add3A_147, %dma_start3A_163] : memref<819200x300xf32, #tpu.memory_space<hbm>> -> memref<80x300xf32, #tpu.memory_space<hbm>>
        %dma_start3A_165 = arith.constant 0 : i32
        %dma_start3A_166 = arith.constant 0 : i32
        %dma_start3A_167 = tpu.memref_slice %arg7[%run_scoped3A_148, %dma_start3A_165, %dma_start3A_166] : memref<2x80x300xf32, #tpu.memory_space<vmem>> -> memref<1x80x300xf32, #tpu.memory_space<vmem>>
        %dma_start3A_168 = tpu.memref_squeeze %dma_start3A_167 : memref<1x80x300xf32, #tpu.memory_space<vmem>> -> memref<80x300xf32, #tpu.memory_space<vmem>>
        tpu.enqueue_dma source(%dma_start3A_168 : memref<80x300xf32, #tpu.memory_space<vmem>>) target(%dma_start3A_164 : memref<80x300xf32, #tpu.memory_space<hbm>>) target_semaphore(%run_scoped3A_156 : memref<!tpu.dma_semaphore, #tpu.memory_space<semaphore_mem>>)
        %dma_wait3A_169 = arith.constant 0 : i32
        %dma_wait3A_170 = arith.constant 0 : i32
        %dma_wait3A_171 = tpu.memref_slice %arg7[%run_scoped3A_148, %dma_wait3A_169, %dma_wait3A_170] : memref<2x80x300xf32, #tpu.memory_space<vmem>> -> memref<1x80x300xf32, #tpu.memory_space<vmem>>
        %dma_wait3A_172 = tpu.memref_squeeze %dma_wait3A_171 : memref<1x80x300xf32, #tpu.memory_space<vmem>> -> memref<80x300xf32, #tpu.memory_space<vmem>>
        %dma_wait3A_173 = arith.constant 0 : i32
        %dma_wait3A_174 = tpu.memref_slice %arg5[%add3A_147, %dma_wait3A_173] : memref<819200x300xf32, #tpu.memory_space<hbm>> -> memref<80x300xf32, #tpu.memory_space<hbm>>
        %dma_wait3A_175 = arith.constant 0 : i32
        %dma_wait3A_176 = tpu.memref_slice %arg5[%add3A_147, %dma_wait3A_175] : memref<819200x300xf32, #tpu.memory_space<hbm>> -> memref<80x300xf32, #tpu.memory_space<hbm>>
        %dma_wait3A_177 = arith.constant 0 : i32
        %dma_wait3A_178 = arith.constant 0 : i32
        %dma_wait3A_179 = tpu.memref_slice %arg7[%run_scoped3A_148, %dma_wait3A_177, %dma_wait3A_178] : memref<2x80x300xf32, #tpu.memory_space<vmem>> -> memref<1x80x300xf32, #tpu.memory_space<vmem>>
        %dma_wait3A_180 = tpu.memref_squeeze %dma_wait3A_179 : memref<1x80x300xf32, #tpu.memory_space<vmem>> -> memref<80x300xf32, #tpu.memory_space<vmem>>
        tpu.wait_dma2 semaphore(%run_scoped3A_156 : memref<!tpu.dma_semaphore, #tpu.memory_space<semaphore_mem>>) src(%dma_wait3A_180 : memref<80x300xf32, #tpu.memory_space<vmem>>) dst(%dma_wait3A_176 : memref<80x300xf32, #tpu.memory_space<hbm>>)
        tpu.yield
      }) : () -> ()
      %add3A_149 = arith.constant 2 : i32
      %add3A_150 = arith.addi %add3A_111, %add3A_149 : i32
      %lt3A_151 = arith.constant 320 : i32
      %lt3A_152 = arith.cmpi slt, %add3A_150, %lt3A_151 : i32
      %convert_element_type3A_153 = arith.extui %lt3A_152 : i1 to i32
      %cond3A_154 = arith.constant 0 : i32
      %cond3A_155 = arith.cmpi ne, %convert_element_type3A_153, %cond3A_154 : i32
      scf.if %cond3A_155 {
        %add3A_156 = arith.constant 2 : i32
        %add3A_157 = arith.addi %add3A_111, %add3A_156 : i32
        %dma_start3A_158 = arith.constant 1 : i32
        %dma_start3A_159 = arith.constant 0 : i32
        %dma_start3A_160 = arith.constant 0 : i32
        %dma_start3A_161 = tpu.memref_slice %arg7[%dma_start3A_158, %dma_start3A_159, %dma_start3A_160] : memref<2x80x300xf32, #tpu.memory_space<vmem>> -> memref<1x80x256xf32, #tpu.memory_space<vmem>>
        %dma_start3A_162 = tpu.memref_squeeze %dma_start3A_161 : memref<1x80x256xf32, #tpu.memory_space<vmem>> -> memref<80x256xf32, #tpu.memory_space<vmem>>
        %dma_start3A_163 = arith.constant 0 : i32
        %dma_start3A_164 = tpu.memref_slice %arg6[%add3A_157, %dma_start3A_163] : memref<320x80xi32, #tpu.memory_space<vmem>> -> memref<1x80xi32, #tpu.memory_space<vmem>>
        %dma_start3A_165 = tpu.memref_squeeze %dma_start3A_164 : memref<1x80xi32, #tpu.memory_space<vmem>> -> memref<80xi32, #tpu.memory_space<vmem>>
        %dma_start3A_166 = arith.constant 0 : i32
        %dma_start3A_167 = arith.constant 0 : i32
        %dma_start3A_168 = tpu.memref_slice %arg3[%dma_start3A_166, %dma_start3A_167] : memref<100000x300xf32, #tpu.memory_space<hbm>> -> memref<100000x256xf32, #tpu.memory_space<hbm>>
        %dma_start3A_169 = arith.constant 0 : i32
        %dma_start3A_170 = arith.constant 0 : i32
        %dma_start3A_171 = tpu.memref_slice %dma_start3A_168[%dma_start3A_169, %dma_start3A_170] : memref<100000x256xf32, #tpu.memory_space<hbm>> -> memref<100000x256xf32, #tpu.memory_space<hbm>>
        tpu.enqueue_indirect_dma source(%dma_start3A_171 : memref<100000x256xf32, #tpu.memory_space<hbm>>) target(%dma_start3A_162 : memref<80x256xf32, #tpu.memory_space<vmem>>) offsets(%dma_start3A_165 : memref<80xi32, #tpu.memory_space<vmem>>) semaphore(%arg10 : memref<!tpu.dma_semaphore, #tpu.memory_space<semaphore_mem>>)
        %dma_start3A_172 = arith.constant 1 : i32
        %dma_start3A_173 = arith.constant 0 : i32
        %dma_start3A_174 = arith.constant 0 : i32
        %dma_start3A_175 = tpu.memref_slice %arg8[%dma_start3A_172, %dma_start3A_173, %dma_start3A_174] : memref<2x80x128xf32, #tpu.memory_space<vmem>> -> memref<1x80x128xf32, #tpu.memory_space<vmem>>
        %dma_start3A_176 = tpu.memref_squeeze %dma_start3A_175 : memref<1x80x128xf32, #tpu.memory_space<vmem>> -> memref<80x128xf32, #tpu.memory_space<vmem>>
        %dma_start3A_177 = arith.constant 0 : i32
        %dma_start3A_178 = tpu.memref_slice %arg6[%add3A_157, %dma_start3A_177] : memref<320x80xi32, #tpu.memory_space<vmem>> -> memref<1x80xi32, #tpu.memory_space<vmem>>
        %dma_start3A_179 = tpu.memref_squeeze %dma_start3A_178 : memref<1x80xi32, #tpu.memory_space<vmem>> -> memref<80xi32, #tpu.memory_space<vmem>>
        %dma_start3A_180 = arith.constant 0 : i32
        %dma_start3A_181 = arith.constant 0 : i32
        %dma_start3A_182 = tpu.memref_slice %arg4[%dma_start3A_180, %dma_start3A_181] : memref<100000x128xf32, #tpu.memory_space<hbm>> -> memref<100000x128xf32, #tpu.memory_space<hbm>>
        tpu.enqueue_indirect_dma source(%dma_start3A_182 : memref<100000x128xf32, #tpu.memory_space<hbm>>) target(%dma_start3A_176 : memref<80x128xf32, #tpu.memory_space<vmem>>) offsets(%dma_start3A_179 : memref<80xi32, #tpu.memory_space<vmem>>) semaphore(%arg12 : memref<!tpu.dma_semaphore, #tpu.memory_space<semaphore_mem>>)
      } else {
      }
    }
    %scan3A_65 = arith.constant 160 : i32
    return
  }
}

</mosaic_0001>

<sc_bundles>
// kernel: _lookup.3.cloned.1.call-start
scs
__scs_entry_jumppad:
0x0: {  	(pc) =	sbr.rel $0x88, $3  }
0x1: {  	(tag) =	ssettag $0x0;
	lr =	simm.s32 $0x1  }
0x2: {  	[smem:$0x3F9E] =	sst lr;
	_ =	strace $0xD0000000  }
0x3: {  	_ = 	snop  }
0x4: {  	_ = 	snop  }
0x5: {  	_ = 	snop  }
0x6: {  	_ = 	snop  }
0x7: {  	_ = 	snop  }
__scs_overlays_trampoline_lowered:
0x8: {  	[smem:$0x3FAD] =	sst s0  }
0x9: {  	[smem:$0x3FAE] =	sst s1  }
0xa: {  	[smem:$0x3FAF] =	sst s2  }
0xb: {  	[smem:$0x3FB0] =	sst s3  }
0xc: {  	[smem:$0x3FB1] =	sst s4  }
0xd: {  	[smem:$0x3FB2] =	sst s5  }
0xe: {  	[smem:$0x3FB3] =	sst s6  }
0xf: {  	[smem:$0x3FB4] =	sst s7  }
0x10: {  	[smem:$0x3FB5] =	sst s8  }
0x11: {  	[smem:$0x3FB6] =	sst s9;
	s0 =	simm.s32 @!p0 $0x0  }
0x12: {  	s1 =	sld [smem:$0x3F9C];
	s0 =	simm.s32 @p0 $0x1  }
0x13: {  	[smem:$0x3FB7] =	sst s0;
	s0 =	simm.s32 @!p1 $0x0  }
0x14: {  	s2 =	sld [smem:$0x3F9B];
	s0 =	simm.s32 @p1 $0x1  }
0x15: {  	[smem:$0x3FB8] =	sst s0;
	s0 =	simm.s32 @!p2 $0x0  }
0x16: {  	s3 =	sld [smem:$0x3FDB];
	s0 =	simm.s32 @p2 $0x1  }
0x17: {  	s4 =	simm.s32 $0x1BF5;
	[smem:$0x3FBA] =	sst s0  }
0x18: {  	s0 =	sld [smem:$0x3F9D];
	_ =	swait.ge [sflag:s4], $0x0  }
0x19: {  	s7 =	sld [smem:$0x3F9E]  }
0x1a: {  	s8 =	sadd.s32 $0xFFFFE003, lr  }
0x1b: {  	s9 =	sadd.s32 $0xFFFFFEF7, lr;
	s5 =	simm.s32 $0xFFFFFFFF;
	p2 =	slt.u32 s8, $0xFFFFF086  }
0x1c: {  	p1 =	slt.u32 s9, $0xF7A;
	s5 =	simm.s32 @!p2 $0x0  }
0x1d: {  	s5 =	simm.s32 @p1 $0x1;
	p0 =	seq.s32 s7, s2  }
0x1e: {  	s7 =	smul.u32 @!p0 $0xF7A, s2;
	p2 =	seq.s32 @!p0 s5, $0x0  }
0x1f: {  	s9 =	smul.u32 $0xF7A, s1;
	s8 =	simm.s32 @!p0 $0x1BF5;
	p2 =	por !p2, p0  }
0x20: {  	[sflag:s8] =	ssyncset.s32 @!p0 $0xFFFFF086;
	s6 =	sadd.s32 @!p0 s3, s7;
	s7 =	simm.s32 @!p0 $0x108  }
0x21: {  	s3 =	sadd.s32 s3, s9;
	s6 =	sadd.s32 @!p0 $0x88, s6;
	s7 =	simm.s32 @p2 $0x1082  }
0x22: {  	[simem:s7], [sflag:s8] =	dma.local @!p0 [hbm:s6], $0xF7A  }
0x23: {  	s9 =	sor.u32 $0xD0000000, s2;
	s6 =	simm.s32 $0x108;
	_ =	swait.ge @!p0 [sflag:s8], $0x0  }
0x24: {  	s3 =	sadd.s32 $0x88, s3;
	s6 =	simm.s32 @!p1 $0x1082;
	[sflag:s4] =	ssyncset.s32 $0xFFFFF086  }
0x25: {  	[simem:s6], [sflag:s4] =	dma.local [hbm:s3], $0xF7A  }
0x26: {  	[smem:$0x3F9E] =	sst s1;
	(tag) =	ssettag s2;
	_ =	strace s9  }
0x27: {  	s1 =	sld [smem:$0x3FAE]  }
0x28: {  	s2 =	sld [smem:$0x3FAF]  }
0x29: {  	s4 =	sld [smem:$0x3FB1]  }
0x2a: {  	p0 =	seq.s32 s5, $0x0;
	s5 =	sld [smem:$0x3FB2]  }
0x2b: {  	s6 =	sld [smem:$0x3FB3]  }
0x2c: {  	s7 =	sld [smem:$0x3FB4]  }
0x2d: {  	s3 =	simm.s32 $0x108;
	s8 =	sld [smem:$0x3FB5]  }
0x2e: {  	s3 =	simm.s32 @!p0 $0x1082;
	s9 =	sld [smem:$0x3FB6]  }
0x2f: {  	lr =	sadd.s32 s0, s3;
	s0 =	sld [smem:$0x3FAD]  }
0x30: {  	s3 =	sld [smem:$0x3FB0]  }
0x31: {  	[smem:$0x3FB9] =	sst s10  }
0x32: {  	s10 =	sld [smem:$0x3FB7];
	_ =	sdelay $0x3  }
0x33: {  	p0 =	seq.s32 s10, $0x1;
	s10 =	sld [smem:$0x3FB9];
	_ =	sdelay $0x3  }
0x34: {  	[smem:$0x3FB9] =	sst s10  }
0x35: {  	s10 =	sld [smem:$0x3FB8];
	_ =	sdelay $0x3  }
0x36: {  	p1 =	seq.s32 s10, $0x1;
	s10 =	sld [smem:$0x3FB9];
	_ =	sdelay $0x3  }
0x37: {  	[smem:$0x3FB9] =	sst s10  }
0x38: {  	s10 =	sld [smem:$0x3FBA]  }
0x39: {  	_ = 	snop;
	(pc) =	sbr.ind lr, $3  }
0x3a: {  	_ = 	snop  }
0x3b: {  	_ = 	snop  }
0x3c: {  	p2 =	seq.s32 s10, $0x1;
	s10 =	sld [smem:$0x3FB9]  }
0x3d: {  	_ =	shalt  }
0x3e: {  	_ =	shalt  }
0x3f: {  	_ =	shalt  }
0x40: {  	_ =	shalt  }
0x41: {  	_ =	shalt  }
0x42: {  	_ =	shalt  }
0x43: {  	_ =	shalt  }
0x44: {  	_ =	shalt  }
0x45: {  	_ =	shalt  }
0x46: {  	_ =	shalt  }
0x47: {  	_ =	shalt  }
0x48: {  	_ =	shalt  }
0x49: {  	_ =	shalt  }
0x4a: {  	_ =	shalt  }
0x4b: {  	_ =	shalt  }
0x4c: {  	_ =	shalt  }
0x4d: {  	_ =	shalt  }
0x4e: {  	_ =	shalt  }
0x4f: {  	_ =	shalt  }
0x50: {  	_ =	shalt  }
0x51: {  	_ =	shalt  }
0x52: {  	_ =	shalt  }
0x53: {  	_ =	shalt  }
0x54: {  	_ =	shalt  }
0x55: {  	_ =	shalt  }
0x56: {  	_ =	shalt  }
0x57: {  	_ =	shalt  }
0x58: {  	_ =	shalt  }
0x59: {  	_ =	shalt  }
0x5a: {  	_ =	shalt  }
0x5b: {  	_ =	shalt  }
0x5c: {  	_ =	shalt  }
0x5d: {  	_ =	shalt  }
0x5e: {  	_ =	shalt  }
0x5f: {  	_ =	shalt  }
0x60: {  	_ =	shalt  }
0x61: {  	_ =	shalt  }
0x62: {  	_ =	shalt  }
0x63: {  	_ =	shalt  }
0x64: {  	_ =	shalt  }
0x65: {  	_ =	shalt  }
0x66: {  	_ =	shalt  }
0x67: {  	_ =	shalt  }
0x68: {  	_ =	shalt  }
0x69: {  	_ =	shalt  }
0x6a: {  	_ =	shalt  }
0x6b: {  	_ =	shalt  }
0x6c: {  	_ =	shalt  }
0x6d: {  	_ =	shalt  }
0x6e: {  	_ =	shalt  }
0x6f: {  	_ =	shalt  }
0x70: {  	_ =	shalt  }
0x71: {  	_ =	shalt  }
0x72: {  	_ =	shalt  }
0x73: {  	_ =	shalt  }
0x74: {  	_ =	shalt  }
0x75: {  	_ =	shalt  }
0x76: {  	_ =	shalt  }
0x77: {  	_ =	shalt  }
0x78: {  	_ =	shalt  }
0x79: {  	_ =	shalt  }
0x7a: {  	_ =	shalt  }
0x7b: {  	_ =	shalt  }
0x7c: {  	_ =	shalt  }
0x7d: {  	_ =	shalt  }
0x7e: {  	_ =	shalt  }
0x7f: {  	_ =	shalt  }
0x80: {  	_ =	shalt  }
0x81: {  	_ =	shalt  }
0x82: {  	_ =	shalt  }
0x83: {  	_ =	shalt  }
0x84: {  	_ =	shalt  }
0x85: {  	_ =	shalt  }
0x86: {  	_ =	shalt  }
0x87: {  	_ =	shalt  }
.Lfunc_end0:
.L_simem_size_0:
called_computation_lowered:
.L_overlay_start_0:
0x88: {  	s2 =	sld [smem:$0x3FD9]  }
0x89: {  	s3 =	sld [smem:$0x3FFE];
	_ =	sdelay $0x1  }
0x8a: {  	s1 =	srdreg.scid  }
0x8b: {  	s0 =	sand.u32 $0x1, s1  }
0x8c: {  	s17 =	sshll.u32 s0, $0xA;
	s2 =	sadd.s32 s3, s2  }
0x8d: {  	s2 =	sadd.s32 s2, s17  }
0x8e: {  	[smem:$0x3FC5] =	sst s2  }
0x8f: {  	_ = 	snop  }
0x90: {  	s2 =	sld [smem:$0x3FC7]  }
0x91: {  	s18 =	sld [smem:$0x3FD0];
	(tm) =	ssettm $0x1  }
0x92: {  	s4 =	sld [smem:$0x3FFB];
	_ =	sdelay $0x3  }
0x93: {  	_ =	strace s4  }
0x94: {  	s4 =	sld [smem:$0x3FFC];
	_ =	sdelay $0x3  }
0x95: {  	_ =	strace s4  }
0x96: {  	s4 =	sld [smem:$0x3FFD];
	_ =	sdelay $0x3  }
0x97: {  	_ =	strace s4  }
0x98: {  	_ =	strace $0x8FFFFFFF  }
0x99: {  	s19 =	sld [smem:$0x3FDB];
	_ =	sdelay $0x1  }
0x9a: {  	s5 =	simm.s32 $_scs_section_size  }
0x9b: {  	s6 =	simm.s32 $_size__tile_overlayer_lowered;
	s7 =	simm.s32 $_tile_overlayer_lowered  }
0x9c: {  	s22 =	simm.s32 $0x1BFF;
	s21 =	sshll.u32 s7, $0x1;
	s4 =	sadd.s32 s5, s19  }
0x9d: {  	s8 =	simm.s32 $0x0;
	s20 =	sshll.u32 s6, $0x1;
	s6 =	sadd.s32 s21, s4  }
0x9e: {  	[timem:s8], [sflag:s22] =	dma.local [hbm:s6], s20  }
0x9f: {  	_ =	swait.ge [sflag:s22], s20  }
0xa0: {  	s5 =	ssub.s32 $0x0, s20;
	[sflag:s22] =	ssyncset.done $0x0  }
0xa1: {  	[sflag:s22] =	ssyncadd.s32 s5;
	_ =	sdelay $0x1  }
0xa2: {  	s23 =	simm.s32 $0x1B8B  }
0xa3: {  	_ =	swait.ge [sflag:s23], $0x1  }
0xa4: {  	[sflag:s23] =	ssyncset.done $0x0  }
0xa5: {  	s25 =	simm.s32 $0x1B8E;
	s24 =	sld [smem:$0x3FFE];
	[sflag:s23] =	ssyncadd.s32 $0xFFFFFFFF  }
0xa6: {  	s26 =	simm.s32 $execute0_lowered;
	[smem:$0x3FD2] =	sst s25  }
0xa7: {  	s6 =	sshll.u32 s26, $0x1;
	_ =	strace $0x80000046;
	[dreg:$0x1] =	wrdreg $0xFFFFFFFF  }
0xa8: {  	s28 =	simm.s32 $_size_execute0_lowered;
	s4 =	sadd.s32 s4, s6;
	[dreg:$0x0] =	wrdreg $0x0  }
0xa9: {  	s6 =	sshll.u32 s28, $0x1;
	[dreg:$0x2] =	wrdreg s4  }
0xaa: {  	[dreg:$0x3] =	wrdreg s6  }
0xab: {  	[dreg:$0x4] =	wrdreg $0xC0  }
0xac: {  	_ =	task [dreg:s8], $0x5FFFF  }
0xad: {  	[dreg:$0x1] =	wrdreg $0xFFFFFFFF  }
0xae: {  	[dreg:$0x0] =	wrdreg $0x60  }
0xaf: {  	[dreg:$0x2] =	wrdreg s24  }
0xb0: {  	[dreg:$0x3] =	wrdreg s18  }
0xb1: {  	[dreg:$0x4] =	wrdreg s2  }
0xb2: {  	[dreg:$0x5] =	wrdreg $0x9  }
0xb3: {  	_ =	task.clear_ibuf [dreg:s8], $0x6FFFF;
	_ =	strace $0x90000046  }
0xb4: {  	s29 =	simm.s32 $0x9;
	_ =	strace $0x80000048  }
0xb5: {  	_ =	swait.ge [sflag:s29], $0x1  }
0xb6: {  	[sflag:s29] =	ssyncadd.s32 $0xFFFFFFFF  }
0xb7: {  	_ =	strace $0x90000048  }
0xb8: {  	_ =	sfence  }
0xb9: {  	s30 =	sld [smem:$0x0];
	_ =	sdelay $0x2  }
0xba: {  	s31 =	sshll.u32 s1, $0xD;
	s1 =	sshrl.u32 s1, $0x2  }
0xbb: {  	s3 =	sand.u32 $0x4000, s31;
	s1 =	sadd.s32 s1, s30  }
0xbc: {  	s0 =	sor.u32 s3, s0;
	s1 =	sshll.u32 s1, $0x11  }
0xbd: {  	s0 =	sor.u32 s1, s0  }
0xbe: {  	s0 =	sadd.s32 $0x8F2B, s0  }
0xbf: {  	[sflag:s0] =	ssyncadd.remote.s32 $0x1  }
0xc0: {  	_ =	sfence.sel $0xFFFF  }
0xc1: {  	[dreg:$0x0] =	wrdreg $0xFFFFFFFF;
	(pc) =	sbr.abs _section_cstart, $3  }
0xc2: {  	[dreg:$0x1] =	wrdreg $0xFFFFFFFF  }
0xc3: {  	_ =	task.clear_ibuf [dreg:s8], $0x2FFFF;
	_ =	strace $0x9FFFFFFF  }
0xc4: {  	(tm) =	ssettm $0x7FFFFFFF  }
0xc5: {  	_ =	shalt  }
tec
execute0_lowered:
.L_overlay_start_1:
0x0: {  	(tag) =	ssettag $0x1  }
0x1: {  	s0 =	rddreg [dreg:$0x0]  }
0x2: {  	s2 =	rddreg [dreg:$0x1];
	s1 =	srdreg.scid  }
0x3: {  	s4 =	stileid.u32;
	s3 =	rddreg [dreg:$0x2]  }
0x4: {  	s10 =	simm.s32 $0x5;
	s11 =	simm.s32 $0xA000;
	s21 =	simm.s32 $0x50  }
0x5: {  	s23 =	simm.s32 $0x11800;
	s28 =	simm.s32 $0x14800;
	s29 =	simm.s32 $0x15400  }
0x6: {  	s30 =	simm.s32 $0x16000;
	s31 =	simm.s32 $0x16C00;
	s9 =	simm.s32 $0x1  }
0x7: {  	s12 =	simm.s32 $0x3;
	s1 =	sand.u32 $0x1, s1;
	s5 =	sshll.u32 s4, $0x1  }
0x8: {  	s13 =	simm.s32 $0x2;
	s14 =	simm.s32 $0x4;
	s5 =	sor.u32 s1, s5  }
0x9: {  	s16 =	simm.s32 $0x0;
	s4 =	simm.s32 $0x0;
	s6 =	smul.u32 $0x1400, s5  }
0xa: {  	[smem:$0x7FF] =	sst s4;
	s1 =	ssub.s32 $0x2, s1;
	s5 =	smul.u32 $0x6400, s5  }
.Ltmp0:
0xb: {  	_ =	strace $0x80000047;
	s7 =	sshrl.u32 s1, $0x1;
	(pc) =	sbr.rel .LBB2_1-.Ltmp0, $4  }
0xc: {  	s25 =	ssub.s32 s1, s7;
	s1 =	simm.s32 $0x17800;
	s7 =	simm.s32 $0x1B800  }
0xd: {  	v3 =	vlaneseq.u32;
	s8 =	sadd.s32 s6, s0;
	s6 =	sadd.s32 $0x28400, s0;
	s0 =	smax.u32 s25, $0x1  }
0xe: {  	vm0 =	vmmov $0xffff;
	v1 =	vshrl.u32 v3, $0x3;
	v0 =	vand.u32 $0x7, v3;
	s26 =	sadd.s32 $0x400, s8;
	s8 =	sor.u32 $0x50, s5;
	[dreg:$0x5] =	wrdreg s0  }
0xf: {  	v2 =	vor.u32 $0x8, v3;
	v3 =	vor.u32 $0x20, v3;
	v1 =	vmul.u32 $0x8, v1;
	s0 =	simm.s32 $0x18400;
	[dreg:$0x4] =	wrdreg s26;
	s26 =	simm.s32 $0x13C00  }
.LBB2_10:
0x10: {  	s16 =	rddreg [dreg:$0x6]  }
0x11: {  	s15 =	rddreg [dreg:$0x5];
	s16 =	sadd.s32 $0x1, s16  }
0x12: {  	p0 =	sne.s32 s16, s15  }
.Ltmp1:
0x13: {  	_ = 	snop;
	(pc) =	sbr.rel @!p0 .LBB2_11-.Ltmp1, $1  }
0x14: {  	_ =	sdelay $0x3  }
.LBB2_1:
0x15: {  	[dreg:$0x6] =	wrdreg s16  }
0x16: {  	s15 =	rddreg [dreg:$0x4]  }
0x17: {  	[tilespmem:s4], [sflag:$0x5] =	stream.linear.gather [hbm4b:s15+s4], $0xA000, $0x38;
	[tilespmem:$0x1E000] =	vst v63  }
0x18: {  	_ =	swait.ge [sflag:s10], $0xA000  }
0x19: {  	[sflag:s10] =	ssyncset.done $0x0  }
0x1a: {  	[sflag:s10] =	ssyncadd.s32 $0xFFFF6000  }
0x1b: {  	v4 =	vld [tilespmem:$0x0];
	_ =	sdelay $0x4  }
0x1c: {  	v5 =	vshrl.u32 v4, $0x3  }
0x1d: {  	v5 =	vmul.u32 $0x18, v5  }
0x1e: {  	v4 =	vand.u32 $0x7, v4  }
0x1f: {  	v4 =	vor.u32 v4, v5  }
0x20: {  	v5 =	vperm.xlane v4, v0;
	_ =	sdelay $0x1  }
0x21: {  	v4 =	vperm.xlane v4, v2;
	v5 =	vadd.s32 v1, v5;
	_ =	sdelay $0x1  }
0x22: {  	v4 =	vadd.s32 v1, v4;
	_ =	sdelay $0x2  }
0x23: {  	[tilespmem:s11], [sflag:$0x1] =	stream.indirect_vreg.gather [hbm4b:s2+s4], $0x80, v5, vm0, $0xb8;
	[tilespmem:$0x1E000] =	vst v63  }
0x24: {  	s19 =	simm.s32 $0xAC00  }
0x25: {  	[tilespmem:s19], [sflag:$0x1] =	stream.indirect_vreg.gather [hbm4b:s2+s4], $0x80, v4, vm0, $0xb8;
	[tilespmem:$0x1E000] =	vst v63  }
0x26: {  	v4 =	vld [tilespmem:$0x10];
	_ =	sdelay $0x4  }
0x27: {  	v5 =	vshrl.u32 v4, $0x3  }
0x28: {  	v5 =	vmul.u32 $0x18, v5  }
0x29: {  	v4 =	vand.u32 $0x7, v4  }
0x2a: {  	v4 =	vor.u32 v4, v5  }
0x2b: {  	v5 =	vperm.xlane v4, v0;
	_ =	sdelay $0x1  }
0x2c: {  	v4 =	vperm.xlane v4, v2;
	v5 =	vadd.s32 v1, v5;
	_ =	sdelay $0x1  }
0x2d: {  	v4 =	vadd.s32 v1, v4;
	_ =	sdelay $0x1  }
0x2e: {  	s20 =	simm.s32 $0xB800  }
0x2f: {  	[tilespmem:s20], [sflag:$0x1] =	stream.indirect_vreg.gather [hbm4b:s2+s4], $0x80, v5, vm0, $0xb8;
	[tilespmem:$0x1E000] =	vst v63  }
0x30: {  	s22 =	simm.s32 $0xC400  }
0x31: {  	[tilespmem:s22], [sflag:$0x1] =	stream.indirect_vreg.gather [hbm4b:s2+s4], $0x80, v4, vm0, $0xb8;
	[tilespmem:$0x1E000] =	vst v63  }
0x32: {  	v4 =	vld [tilespmem:$0x20];
	_ =	sdelay $0x4  }
0x33: {  	v5 =	vshrl.u32 v4, $0x3  }
0x34: {  	v5 =	vmul.u32 $0x18, v5  }
0x35: {  	v4 =	vand.u32 $0x7, v4  }
0x36: {  	v4 =	vor.u32 v4, v5  }
0x37: {  	v5 =	vperm.xlane v4, v0;
	_ =	sdelay $0x1  }
0x38: {  	v4 =	vperm.xlane v4, v2;
	v5 =	vadd.s32 v1, v5;
	_ =	sdelay $0x1  }
0x39: {  	v4 =	vadd.s32 v1, v4;
	_ =	sdelay $0x1  }
0x3a: {  	s24 =	simm.s32 $0xD000  }
0x3b: {  	[tilespmem:s24], [sflag:$0x1] =	stream.indirect_vreg.gather [hbm4b:s2+s4], $0x80, v5, vm0, $0xb8;
	[tilespmem:$0x1E000] =	vst v63  }
0x3c: {  	s25 =	simm.s32 $0xDC00  }
0x3d: {  	[tilespmem:s25], [sflag:$0x1] =	stream.indirect_vreg.gather [hbm4b:s2+s4], $0x80, v4, vm0, $0xb8;
	[tilespmem:$0x1E000] =	vst v63  }
0x3e: {  	v4 =	vld [tilespmem:$0x30];
	_ =	sdelay $0x4  }
0x3f: {  	v5 =	vshrl.u32 v4, $0x3  }
0x40: {  	v5 =	vmul.u32 $0x18, v5  }
0x41: {  	v4 =	vand.u32 $0x7, v4  }
0x42: {  	v4 =	vor.u32 v4, v5  }
0x43: {  	v5 =	vperm.xlane v4, v0;
	_ =	sdelay $0x1  }
0x44: {  	v4 =	vperm.xlane v4, v2;
	v5 =	vadd.s32 v1, v5;
	_ =	sdelay $0x1  }
0x45: {  	v4 =	vadd.s32 v1, v4;
	_ =	sdelay $0x1  }
0x46: {  	s16 =	simm.s32 $0xE800  }
0x47: {  	[tilespmem:s16], [sflag:$0x1] =	stream.indirect_vreg.gather [hbm4b:s2+s4], $0x80, v5, vm0, $0xb8;
	[tilespmem:$0x1E000] =	vst v63  }
0x48: {  	s17 =	simm.s32 $0xF400  }
0x49: {  	[tilespmem:s17], [sflag:$0x1] =	stream.indirect_vreg.gather [hbm4b:s2+s4], $0x80, v4, vm0, $0xb8;
	[tilespmem:$0x1E000] =	vst v63  }
0x4a: {  	v4 =	vld [tilespmem:$0x40];
	_ =	sdelay $0x4  }
0x4b: {  	v5 =	vshrl.u32 v4, $0x3  }
0x4c: {  	v5 =	vmul.u32 $0x18, v5  }
0x4d: {  	v4 =	vand.u32 $0x7, v4  }
0x4e: {  	v4 =	vor.u32 v4, v5  }
0x4f: {  	v5 =	vperm.xlane v4, v0;
	_ =	sdelay $0x1  }
0x50: {  	v4 =	vperm.xlane v4, v2;
	v5 =	vadd.s32 v1, v5;
	_ =	sdelay $0x1  }
0x51: {  	v4 =	vadd.s32 v1, v4;
	_ =	sdelay $0x1  }
0x52: {  	s18 =	simm.s32 $0x10000  }
0x53: {  	[tilespmem:s18], [sflag:$0x1] =	stream.indirect_vreg.gather [hbm4b:s2+s4], $0x80, v5, vm0, $0xb8;
	[tilespmem:$0x1E000] =	vst v63  }
0x54: {  	s19 =	simm.s32 $0x10C00  }
0x55: {  	[tilespmem:s19], [sflag:$0x1] =	stream.indirect_vreg.gather [hbm4b:s2+s4], $0x80, v4, vm0, $0xb8;
	[tilespmem:$0x1E000] =	vst v63  }
0x56: {  	s20 =	simm.s32 $0x19000  }
0x57: {  	[tilespmem:s20], [sflag:$0x3] =	stream.indirect.gather [hbm4b:s3+s21], $0x80, s4, s21, $0xb8;
	[tilespmem:$0x1E000] =	vst v63  }
0x58: {  	v4 =	vld [tilespmem:$0x80];
	_ =	sdelay $0x4  }
0x59: {  	v5 =	vshrl.u32 v4, $0x3  }
0x5a: {  	v5 =	vmul.u32 $0x18, v5  }
0x5b: {  	v4 =	vand.u32 $0x7, v4  }
0x5c: {  	v4 =	vor.u32 v4, v5  }
0x5d: {  	v5 =	vperm.xlane v4, v0;
	_ =	sdelay $0x1  }
0x5e: {  	v4 =	vperm.xlane v4, v2;
	v5 =	vadd.s32 v1, v5;
	_ =	sdelay $0x1  }
0x5f: {  	v4 =	vadd.s32 v1, v4;
	_ =	sdelay $0x2  }
0x60: {  	[tilespmem:s23], [sflag:$0x2] =	stream.indirect_vreg.gather [hbm4b:s2+s4], $0x80, v5, vm0, $0xb8;
	[tilespmem:$0x1E000] =	vst v63  }
0x61: {  	s22 =	simm.s32 $0x12400  }
0x62: {  	[tilespmem:s22], [sflag:$0x2] =	stream.indirect_vreg.gather [hbm4b:s2+s4], $0x80, v4, vm0, $0xb8;
	[tilespmem:$0x1E000] =	vst v63  }
0x63: {  	v4 =	vld [tilespmem:$0x90];
	_ =	sdelay $0x4  }
0x64: {  	v5 =	vshrl.u32 v4, $0x3  }
0x65: {  	v5 =	vmul.u32 $0x18, v5  }
0x66: {  	v4 =	vand.u32 $0x7, v4  }
0x67: {  	v4 =	vor.u32 v4, v5  }
0x68: {  	v5 =	vperm.xlane v4, v0;
	_ =	sdelay $0x1  }
0x69: {  	v4 =	vperm.xlane v4, v2;
	v5 =	vadd.s32 v1, v5;
	_ =	sdelay $0x1  }
0x6a: {  	v4 =	vadd.s32 v1, v4;
	_ =	sdelay $0x1  }
0x6b: {  	s24 =	simm.s32 $0x13000  }
0x6c: {  	[tilespmem:s24], [sflag:$0x2] =	stream.indirect_vreg.gather [hbm4b:s2+s4], $0x80, v5, vm0, $0xb8;
	[tilespmem:$0x1E000] =	vst v63  }
0x6d: {  	_ = 	snop  }
0x6e: {  	[tilespmem:s26], [sflag:$0x2] =	stream.indirect_vreg.gather [hbm4b:s2+s4], $0x80, v4, vm0, $0xb8;
	[tilespmem:$0x1E000] =	vst v63  }
0x6f: {  	v4 =	vld [tilespmem:$0xA0];
	_ =	sdelay $0x4  }
0x70: {  	v5 =	vshrl.u32 v4, $0x3  }
0x71: {  	v5 =	vmul.u32 $0x18, v5  }
0x72: {  	v4 =	vand.u32 $0x7, v4  }
0x73: {  	v4 =	vor.u32 v4, v5  }
0x74: {  	v5 =	vperm.xlane v4, v0;
	_ =	sdelay $0x1  }
0x75: {  	v4 =	vperm.xlane v4, v2;
	v5 =	vadd.s32 v1, v5;
	_ =	sdelay $0x1  }
0x76: {  	v4 =	vadd.s32 v1, v4;
	_ =	sdelay $0x2  }
0x77: {  	[tilespmem:s28], [sflag:$0x2] =	stream.indirect_vreg.gather [hbm4b:s2+s4], $0x80, v5, vm0, $0xb8;
	[tilespmem:$0x1E000] =	vst v63  }
0x78: {  	_ = 	snop  }
0x79: {  	[tilespmem:s29], [sflag:$0x2] =	stream.indirect_vreg.gather [hbm4b:s2+s4], $0x80, v4, vm0, $0xb8;
	[tilespmem:$0x1E000] =	vst v63  }
0x7a: {  	v4 =	vld [tilespmem:$0xB0];
	_ =	sdelay $0x4  }
0x7b: {  	v5 =	vshrl.u32 v4, $0x3  }
0x7c: {  	v5 =	vmul.u32 $0x18, v5  }
0x7d: {  	v4 =	vand.u32 $0x7, v4  }
0x7e: {  	v4 =	vor.u32 v4, v5  }
0x7f: {  	v5 =	vperm.xlane v4, v0;
	_ =	sdelay $0x1  }
0x80: {  	v4 =	vperm.xlane v4, v2;
	v5 =	vadd.s32 v1, v5;
	_ =	sdelay $0x1  }
0x81: {  	v4 =	vadd.s32 v1, v4;
	_ =	sdelay $0x2  }
0x82: {  	[tilespmem:s30], [sflag:$0x2] =	stream.indirect_vreg.gather [hbm4b:s2+s4], $0x80, v5, vm0, $0xb8;
	[tilespmem:$0x1E000] =	vst v63  }
0x83: {  	_ = 	snop  }
0x84: {  	[tilespmem:s31], [sflag:$0x2] =	stream.indirect_vreg.gather [hbm4b:s2+s4], $0x80, v4, vm0, $0xb8;
	[tilespmem:$0x1E000] =	vst v63  }
0x85: {  	v4 =	vld [tilespmem:$0xC0];
	_ =	sdelay $0x4  }
0x86: {  	v5 =	vshrl.u32 v4, $0x3  }
0x87: {  	v5 =	vmul.u32 $0x18, v5  }
0x88: {  	v4 =	vand.u32 $0x7, v4  }
0x89: {  	v4 =	vor.u32 v4, v5  }
0x8a: {  	v5 =	vperm.xlane v4, v0;
	_ =	sdelay $0x1  }
0x8b: {  	v4 =	vperm.xlane v4, v2;
	v5 =	vadd.s32 v1, v5;
	_ =	sdelay $0x1  }
0x8c: {  	v4 =	vadd.s32 v1, v4;
	_ =	sdelay $0x2  }
0x8d: {  	[tilespmem:s1], [sflag:$0x2] =	stream.indirect_vreg.gather [hbm4b:s2+s4], $0x80, v5, vm0, $0xb8;
	[tilespmem:$0x1E000] =	vst v63  }
0x8e: {  	_ = 	snop  }
0x8f: {  	[tilespmem:s0], [sflag:$0x2] =	stream.indirect_vreg.gather [hbm4b:s2+s4], $0x80, v4, vm0, $0xb8;
	[tilespmem:$0x1E000] =	vst v63  }
0x90: {  	s15 =	simm.s32 $0x0;
	s25 =	simm.s32 $0x80  }
0x91: {  	[tilespmem:s7], [sflag:$0x4] =	stream.indirect.gather [hbm4b:s3+s21], $0x80, s25, s21, $0xb8;
	[tilespmem:$0x1E000] =	vst v63  }
.LBB2_2:
0x92: {  	_ =	swait.ge [sflag:s9], $0x5000  }
0x93: {  	[sflag:s9] =	ssyncset.done $0x0  }
0x94: {  	[sflag:s9] =	ssyncadd.s32 $0xFFFFB000  }
0x95: {  	_ =	swait.ge [sflag:s12], $0x2800  }
0x96: {  	[sflag:s12] =	ssyncset.done $0x0  }
0x97: {  	s17 =	simm.s32 $0x19020;
	[sflag:s12] =	ssyncadd.s32 $0xFFFFD800  }
0x98: {  	s16 =	simm.s32 $0x0;
	v4 =	vld [tilespmem:s17+$0xFFFFFFE0]  }
0x99: {  	s18 =	smul.u32 $0x3000, s16  }
0x9a: {  	s16 =	simm.s32 $0x0  }
0x9b: {  	s19 =	sand.u32 $0x380, s16;
	s18 =	sshra.s32 s18, $0x2  }
0x9c: {  	s18 =	sor.u32 s19, s18  }
0x9d: {  	[tilespmem:s18+$0xA800] =	vst v4  }
0x9e: {  	v5 =	vmov s16;
	v4 =	vld [tilespmem:s17+$0xFFFFFFF0]  }
0x9f: {  	v6 =	vshrl.u32 v5, $0x3  }
0xa0: {  	v5 =	vshll.u32 v5, $0x7;
	v6 =	vmul.u32 $0xC00, v6  }
0xa1: {  	v5 =	vand.u32 $0x380, v5  }
0xa2: {  	v5 =	vor.u32 v5, v6  }
0xa3: {  	[tilespmem:s18+$0xA810] =	vst v4;
	v4 =	vor.u32 v3, v5  }
0xa4: {  	v5 =	vld [tilespmem:s17+$0x0];
	v4 =	vadd.s32 $0x800, v4;
	_ =	sdelay $0x4  }
0xa5: {  	s18 =	simm.s32 $0x190A0;
	[tilespmem:v4+s11+$0x0] =	vst.idx.msk $0xfff, v5  }
0xa6: {  	s20 =	simm.s32 $0x0;
	s19 =	simm.s32 $0x2;
	s17 =	simm.s32 $0x1;
	v4 =	vld [tilespmem:s18+$0xFFFFFFE0]  }
.LBB2_3:
0xa7: {  	p0 =	sne.s32 s19, $0x4F;
	s20 =	smul.u32 $0x3000, s20  }
0xa8: {  	s16 =	sadd.s32 $0x80, s16  }
0xa9: {  	s22 =	sand.u32 $0x380, s16;
	s20 =	sshra.s32 s20, $0x2  }
0xaa: {  	s20 =	sor.u32 s22, s20  }
0xab: {  	[tilespmem:s20+$0xA800] =	vst v4  }
0xac: {  	v5 =	vmov s17;
	s17 =	smov.u32 s19;
	v4 =	vld [tilespmem:s18+$0xFFFFFFF0]  }
0xad: {  	v6 =	vshrl.u32 v5, $0x3  }
0xae: {  	v5 =	vshll.u32 v5, $0x7;
	v6 =	vmul.u32 $0xC00, v6  }
0xaf: {  	v5 =	vand.u32 $0x380, v5  }
0xb0: {  	v5 =	vor.u32 v5, v6  }
0xb1: {  	[tilespmem:s20+$0xA810] =	vst v4;
	v4 =	vor.u32 v3, v5  }
0xb2: {  	v5 =	vld [tilespmem:s18+$0x0];
	v4 =	vadd.s32 $0x800, v4;
	_ =	sdelay $0x1  }
.Ltmp2:
0xb3: {  	(pc) =	sbr.rel @p0 .LBB2_3-.Ltmp2, $3  }
0xb4: {  	_ =	sdelay $0x1  }
0xb5: {  	s18 =	sadd.s32 $0x80, s18;
	[tilespmem:v4+s11+$0x0] =	vst.idx.msk $0xfff, v5  }
0xb6: {  	s19 =	sadd.s32 $0x1, s19;
	s20 =	sshrl.u32 s17, $0x3;
	v4 =	vld [tilespmem:s18+$0xFFFFFFE0]  }
0xb7: {  	s19 =	smul.u32 $0x3000, s20  }
0xb8: {  	s16 =	sadd.s32 $0x80, s16  }
0xb9: {  	s16 =	sand.u32 $0x380, s16;
	s19 =	sshra.s32 s19, $0x2  }
0xba: {  	s16 =	sor.u32 s16, s19  }
0xbb: {  	[tilespmem:s16+$0xA800] =	vst v4  }
0xbc: {  	v5 =	vmov s17;
	v4 =	vld [tilespmem:s18+$0xFFFFFFF0]  }
0xbd: {  	v6 =	vshrl.u32 v5, $0x3  }
0xbe: {  	v5 =	vshll.u32 v5, $0x7;
	v6 =	vmul.u32 $0xC00, v6  }
0xbf: {  	v5 =	vand.u32 $0x380, v5  }
0xc0: {  	v5 =	vor.u32 v5, v6  }
0xc1: {  	s17 =	smul.u32 $0xA0, s15;
	[tilespmem:s16+$0xA810] =	vst v4;
	v4 =	vor.u32 v3, v5  }
0xc2: {  	v5 =	vld [tilespmem:s18+$0x0];
	v4 =	vadd.s32 $0x800, v4  }
0xc3: {  	s25 =	sadd.s32 s5, s17  }
0xc4: {  	s16 =	sshrl.u32 s25, $0x3  }
0xc5: {  	s16 =	smul.u32 $0x180, s16  }
0xc6: {  	p0 =	seq.s32 s15, $0x9F  }
.Ltmp3:
0xc7: {  	s16 =	sadd.s32 s6, s16;
	[tilespmem:v4+s11+$0x0] =	vst.idx.msk $0xfff, v5;
	(pc) =	sbr.rel @p0 .LBB2_6-.Ltmp3, $4  }
0xc8: {  	[hbm4b:s16+s4] =	stream.linear.scatter [tilespmem:s11], [sflag:$0x5], $0x7800, $0x38;
	[tilespmem:$0x1E000] =	vst v63  }
0xc9: {  	_ =	swait.ge [sflag:s10], $0x7800  }
0xca: {  	[sflag:s10] =	ssyncset.done $0x0  }
0xcb: {  	s16 =	sshll.u32 s15, $0xA;
	[sflag:s10] =	ssyncadd.s32 $0xFFFF8800  }
0xcc: {  	s18 =	sshrl.u32 s16, $0x2  }
0xcd: {  	v4 =	vld [tilespmem:s18+$0x100];
	_ =	sdelay $0x4  }
0xce: {  	v5 =	vshrl.u32 v4, $0x3  }
0xcf: {  	v5 =	vmul.u32 $0x18, v5  }
0xd0: {  	v4 =	vand.u32 $0x7, v4  }
0xd1: {  	v4 =	vor.u32 v4, v5  }
0xd2: {  	v5 =	vperm.xlane v4, v0;
	_ =	sdelay $0x1  }
0xd3: {  	v4 =	vperm.xlane v4, v2;
	v5 =	vadd.s32 v1, v5;
	_ =	sdelay $0x1  }
0xd4: {  	v4 =	vadd.s32 v1, v4;
	_ =	sdelay $0x2  }
0xd5: {  	[tilespmem:s11], [sflag:$0x1] =	stream.indirect_vreg.gather [hbm4b:s2+s4], $0x80, v5, vm0, $0xb8;
	[tilespmem:$0x1E000] =	vst v63  }
0xd6: {  	s19 =	simm.s32 $0xAC00  }
0xd7: {  	[tilespmem:s19], [sflag:$0x1] =	stream.indirect_vreg.gather [hbm4b:s2+s4], $0x80, v4, vm0, $0xb8;
	[tilespmem:$0x1E000] =	vst v63  }
0xd8: {  	v4 =	vld [tilespmem:s18+$0x110];
	_ =	sdelay $0x4  }
0xd9: {  	v5 =	vshrl.u32 v4, $0x3  }
0xda: {  	v5 =	vmul.u32 $0x18, v5  }
0xdb: {  	v4 =	vand.u32 $0x7, v4  }
0xdc: {  	v4 =	vor.u32 v4, v5  }
0xdd: {  	v5 =	vperm.xlane v4, v0;
	_ =	sdelay $0x1  }
0xde: {  	v4 =	vperm.xlane v4, v2;
	v5 =	vadd.s32 v1, v5;
	_ =	sdelay $0x1  }
0xdf: {  	v4 =	vadd.s32 v1, v4;
	_ =	sdelay $0x1  }
0xe0: {  	s25 =	simm.s32 $0xB800  }
0xe1: {  	[tilespmem:s25], [sflag:$0x1] =	stream.indirect_vreg.gather [hbm4b:s2+s4], $0x80, v5, vm0, $0xb8;
	[tilespmem:$0x1E000] =	vst v63  }
0xe2: {  	s20 =	simm.s32 $0xC400  }
0xe3: {  	[tilespmem:s20], [sflag:$0x1] =	stream.indirect_vreg.gather [hbm4b:s2+s4], $0x80, v4, vm0, $0xb8;
	[tilespmem:$0x1E000] =	vst v63  }
0xe4: {  	v4 =	vld [tilespmem:s18+$0x120];
	_ =	sdelay $0x4  }
0xe5: {  	v5 =	vshrl.u32 v4, $0x3  }
0xe6: {  	v5 =	vmul.u32 $0x18, v5  }
0xe7: {  	v4 =	vand.u32 $0x7, v4  }
0xe8: {  	v4 =	vor.u32 v4, v5  }
0xe9: {  	v5 =	vperm.xlane v4, v0;
	_ =	sdelay $0x1  }
0xea: {  	v4 =	vperm.xlane v4, v2;
	v5 =	vadd.s32 v1, v5;
	_ =	sdelay $0x1  }
0xeb: {  	v4 =	vadd.s32 v1, v4;
	_ =	sdelay $0x1  }
0xec: {  	s22 =	simm.s32 $0xD000  }
0xed: {  	[tilespmem:s22], [sflag:$0x1] =	stream.indirect_vreg.gather [hbm4b:s2+s4], $0x80, v5, vm0, $0xb8;
	[tilespmem:$0x1E000] =	vst v63  }
0xee: {  	s24 =	simm.s32 $0xDC00  }
0xef: {  	[tilespmem:s24], [sflag:$0x1] =	stream.indirect_vreg.gather [hbm4b:s2+s4], $0x80, v4, vm0, $0xb8;
	[tilespmem:$0x1E000] =	vst v63  }
0xf0: {  	v4 =	vld [tilespmem:s18+$0x130];
	_ =	sdelay $0x4  }
0xf1: {  	v5 =	vshrl.u32 v4, $0x3  }
0xf2: {  	v5 =	vmul.u32 $0x18, v5  }
0xf3: {  	v4 =	vand.u32 $0x7, v4  }
0xf4: {  	v4 =	vor.u32 v4, v5  }
0xf5: {  	v5 =	vperm.xlane v4, v0;
	_ =	sdelay $0x1  }
0xf6: {  	v4 =	vperm.xlane v4, v2;
	v5 =	vadd.s32 v1, v5;
	_ =	sdelay $0x1  }
0xf7: {  	v4 =	vadd.s32 v1, v4;
	_ =	sdelay $0x1  }
0xf8: {  	s25 =	simm.s32 $0xE800  }
0xf9: {  	[tilespmem:s25], [sflag:$0x1] =	stream.indirect_vreg.gather [hbm4b:s2+s4], $0x80, v5, vm0, $0xb8;
	[tilespmem:$0x1E000] =	vst v63  }
0xfa: {  	s20 =	simm.s32 $0xF400  }
0xfb: {  	[tilespmem:s20], [sflag:$0x1] =	stream.indirect_vreg.gather [hbm4b:s2+s4], $0x80, v4, vm0, $0xb8;
	[tilespmem:$0x1E000] =	vst v63  }
0xfc: {  	v4 =	vld [tilespmem:s18+$0x140];
	_ =	sdelay $0x4  }
0xfd: {  	v5 =	vshrl.u32 v4, $0x3  }
0xfe: {  	v5 =	vmul.u32 $0x18, v5  }
0xff: {  	v4 =	vand.u32 $0x7, v4  }
0x100: {  	v4 =	vor.u32 v4, v5  }
0x101: {  	v5 =	vperm.xlane v4, v0;
	_ =	sdelay $0x1  }
0x102: {  	v4 =	vperm.xlane v4, v2;
	v5 =	vadd.s32 v1, v5;
	_ =	sdelay $0x1  }
0x103: {  	v4 =	vadd.s32 v1, v4;
	_ =	sdelay $0x1  }
0x104: {  	s22 =	simm.s32 $0x10000  }
0x105: {  	[tilespmem:s22], [sflag:$0x1] =	stream.indirect_vreg.gather [hbm4b:s2+s4], $0x80, v5, vm0, $0xb8;
	[tilespmem:$0x1E000] =	vst v63  }
0x106: {  	s24 =	simm.s32 $0x10C00  }
0x107: {  	[tilespmem:s24], [sflag:$0x1] =	stream.indirect_vreg.gather [hbm4b:s2+s4], $0x80, v4, vm0, $0xb8;
	[tilespmem:$0x1E000] =	vst v63  }
0x108: {  	s25 =	simm.s32 $0x19000;
	s18 =	sadd.s32 $0x100, s18  }
0x109: {  	[tilespmem:s25], [sflag:$0x3] =	stream.indirect.gather [hbm4b:s3+s21], $0x80, s18, s21, $0xb8;
	[tilespmem:$0x1E000] =	vst v63  }
.LBB2_6:
0x10a: {  	_ =	swait.ge [sflag:s13], $0x5000  }
0x10b: {  	[sflag:s13] =	ssyncset.done $0x0  }
0x10c: {  	[sflag:s13] =	ssyncadd.s32 $0xFFFFB000  }
0x10d: {  	_ =	swait.ge [sflag:s14], $0x2800  }
0x10e: {  	[sflag:s14] =	ssyncset.done $0x0  }
0x10f: {  	s19 =	simm.s32 $0x1B820;
	[sflag:s14] =	ssyncadd.s32 $0xFFFFD800  }
0x110: {  	s18 =	simm.s32 $0x0;
	v4 =	vld [tilespmem:s19+$0xFFFFFFE0]  }
0x111: {  	s20 =	smul.u32 $0x3000, s18  }
0x112: {  	s18 =	simm.s32 $0x0  }
0x113: {  	s22 =	sand.u32 $0x380, s18;
	s20 =	sshra.s32 s20, $0x2  }
0x114: {  	s20 =	sor.u32 s22, s20  }
0x115: {  	[tilespmem:s20+$0x12000] =	vst v4  }
0x116: {  	v5 =	vmov s18;
	v4 =	vld [tilespmem:s19+$0xFFFFFFF0]  }
0x117: {  	v6 =	vshrl.u32 v5, $0x3  }
0x118: {  	v5 =	vshll.u32 v5, $0x7;
	v6 =	vmul.u32 $0xC00, v6  }
0x119: {  	v5 =	vand.u32 $0x380, v5  }
0x11a: {  	v5 =	vor.u32 v5, v6;
	s20 =	sadd.s32 $0x12000, s20  }
0x11b: {  	[tilespmem:s20+$0x10] =	vst v4;
	v4 =	vor.u32 v3, v5  }
0x11c: {  	v5 =	vld [tilespmem:s19+$0x0];
	v4 =	vadd.s32 $0x8000, v4;
	_ =	sdelay $0x4  }
0x11d: {  	s19 =	simm.s32 $0x1B8A0;
	[tilespmem:v4+s11+$0x0] =	vst.idx.msk $0xfff, v5  }
0x11e: {  	s24 =	simm.s32 $0x0;
	s22 =	simm.s32 $0x2;
	s20 =	simm.s32 $0x1;
	v4 =	vld [tilespmem:s19+$0xFFFFFFE0]  }
.LBB2_7:
0x11f: {  	p1 =	sne.s32 s22, $0x4F;
	s24 =	smul.u32 $0x3000, s24  }
0x120: {  	s18 =	sadd.s32 $0x80, s18  }
0x121: {  	s25 =	sand.u32 $0x380, s18;
	s24 =	sshra.s32 s24, $0x2  }
0x122: {  	s24 =	sor.u32 s25, s24  }
0x123: {  	[tilespmem:s24+$0x12000] =	vst v4  }
0x124: {  	v5 =	vmov s20;
	s20 =	smov.u32 s22;
	v4 =	vld [tilespmem:s19+$0xFFFFFFF0]  }
0x125: {  	v6 =	vshrl.u32 v5, $0x3  }
0x126: {  	v5 =	vshll.u32 v5, $0x7;
	v6 =	vmul.u32 $0xC00, v6  }
0x127: {  	v5 =	vand.u32 $0x380, v5  }
0x128: {  	s24 =	sadd.s32 $0x12000, s24;
	v5 =	vor.u32 v5, v6  }
0x129: {  	[tilespmem:s24+$0x10] =	vst v4;
	v4 =	vor.u32 v3, v5  }
0x12a: {  	v5 =	vld [tilespmem:s19+$0x0];
	v4 =	vadd.s32 $0x8000, v4;
	_ =	sdelay $0x1  }
.Ltmp4:
0x12b: {  	(pc) =	sbr.rel @p1 .LBB2_7-.Ltmp4, $3  }
0x12c: {  	_ =	sdelay $0x1  }
0x12d: {  	s19 =	sadd.s32 $0x80, s19;
	[tilespmem:v4+s11+$0x0] =	vst.idx.msk $0xfff, v5  }
0x12e: {  	s22 =	sadd.s32 $0x1, s22;
	s24 =	sshrl.u32 s20, $0x3;
	v4 =	vld [tilespmem:s19+$0xFFFFFFE0]  }
0x12f: {  	s22 =	smul.u32 $0x3000, s24  }
0x130: {  	s18 =	sadd.s32 $0x80, s18  }
0x131: {  	s18 =	sand.u32 $0x380, s18;
	s22 =	sshra.s32 s22, $0x2  }
0x132: {  	s18 =	sor.u32 s18, s22  }
0x133: {  	[tilespmem:s18+$0x12000] =	vst v4  }
0x134: {  	v5 =	vmov s20;
	v4 =	vld [tilespmem:s19+$0xFFFFFFF0]  }
0x135: {  	v6 =	vshrl.u32 v5, $0x3  }
0x136: {  	v5 =	vshll.u32 v5, $0x7;
	v6 =	vmul.u32 $0xC00, v6  }
0x137: {  	v5 =	vand.u32 $0x380, v5  }
0x138: {  	s18 =	sadd.s32 $0x12000, s18;
	v5 =	vor.u32 v5, v6  }
0x139: {  	[tilespmem:s18+$0x10] =	vst v4;
	v4 =	vor.u32 v3, v5  }
0x13a: {  	v5 =	vld [tilespmem:s19+$0x0];
	v4 =	vadd.s32 $0x8000, v4  }
0x13b: {  	s17 =	sadd.s32 s17, s8  }
0x13c: {  	s17 =	sshrl.u32 s17, $0x3  }
0x13d: {  	s17 =	smul.u32 $0x180, s17;
	_ =	sdelay $0x1  }
.Ltmp5:
0x13e: {  	s17 =	sadd.s32 s6, s17;
	[tilespmem:v4+s11+$0x0] =	vst.idx.msk $0xfff, v5;
	(pc) =	sbr.rel @p0 .LBB2_10-.Ltmp5, $4  }
0x13f: {  	[hbm4b:s17+s4] =	stream.linear.scatter [tilespmem:s23], [sflag:$0x5], $0x7800, $0x38;
	[tilespmem:$0x1E000] =	vst v63  }
0x140: {  	_ =	swait.ge [sflag:s10], $0x7800  }
0x141: {  	[sflag:s10] =	ssyncset.done $0x0  }
0x142: {  	[sflag:s10] =	ssyncadd.s32 $0xFFFF8800  }
0x143: {  	s16 =	sshrl.u32 s16, $0x2  }
0x144: {  	v4 =	vld [tilespmem:s16+$0x180];
	_ =	sdelay $0x4  }
0x145: {  	v5 =	vshrl.u32 v4, $0x3  }
0x146: {  	v5 =	vmul.u32 $0x18, v5  }
0x147: {  	v4 =	vand.u32 $0x7, v4  }
0x148: {  	v4 =	vor.u32 v4, v5  }
0x149: {  	v5 =	vperm.xlane v4, v0;
	_ =	sdelay $0x1  }
0x14a: {  	v4 =	vperm.xlane v4, v2;
	v5 =	vadd.s32 v1, v5;
	_ =	sdelay $0x1  }
0x14b: {  	v4 =	vadd.s32 v1, v4;
	_ =	sdelay $0x2  }
0x14c: {  	[tilespmem:s23], [sflag:$0x2] =	stream.indirect_vreg.gather [hbm4b:s2+s4], $0x80, v5, vm0, $0xb8;
	[tilespmem:$0x1E000] =	vst v63  }
0x14d: {  	s17 =	simm.s32 $0x12400  }
0x14e: {  	[tilespmem:s17], [sflag:$0x2] =	stream.indirect_vreg.gather [hbm4b:s2+s4], $0x80, v4, vm0, $0xb8;
	[tilespmem:$0x1E000] =	vst v63  }
0x14f: {  	v4 =	vld [tilespmem:s16+$0x190];
	_ =	sdelay $0x4  }
0x150: {  	v5 =	vshrl.u32 v4, $0x3  }
0x151: {  	v5 =	vmul.u32 $0x18, v5  }
0x152: {  	v4 =	vand.u32 $0x7, v4  }
0x153: {  	v4 =	vor.u32 v4, v5  }
0x154: {  	v5 =	vperm.xlane v4, v0;
	_ =	sdelay $0x1  }
0x155: {  	v4 =	vperm.xlane v4, v2;
	v5 =	vadd.s32 v1, v5;
	_ =	sdelay $0x1  }
0x156: {  	v4 =	vadd.s32 v1, v4;
	_ =	sdelay $0x1  }
0x157: {  	s25 =	simm.s32 $0x13000  }
0x158: {  	[tilespmem:s25], [sflag:$0x2] =	stream.indirect_vreg.gather [hbm4b:s2+s4], $0x80, v5, vm0, $0xb8;
	[tilespmem:$0x1E000] =	vst v63  }
0x159: {  	_ = 	snop  }
0x15a: {  	[tilespmem:s26], [sflag:$0x2] =	stream.indirect_vreg.gather [hbm4b:s2+s4], $0x80, v4, vm0, $0xb8;
	[tilespmem:$0x1E000] =	vst v63  }
0x15b: {  	v4 =	vld [tilespmem:s16+$0x1A0];
	_ =	sdelay $0x4  }
0x15c: {  	v5 =	vshrl.u32 v4, $0x3  }
0x15d: {  	v5 =	vmul.u32 $0x18, v5  }
0x15e: {  	v4 =	vand.u32 $0x7, v4  }
0x15f: {  	v4 =	vor.u32 v4, v5  }
0x160: {  	v5 =	vperm.xlane v4, v0;
	_ =	sdelay $0x1  }
0x161: {  	v4 =	vperm.xlane v4, v2;
	v5 =	vadd.s32 v1, v5;
	_ =	sdelay $0x1  }
0x162: {  	v4 =	vadd.s32 v1, v4;
	_ =	sdelay $0x2  }
0x163: {  	[tilespmem:s28], [sflag:$0x2] =	stream.indirect_vreg.gather [hbm4b:s2+s4], $0x80, v5, vm0, $0xb8;
	[tilespmem:$0x1E000] =	vst v63  }
0x164: {  	_ = 	snop  }
0x165: {  	[tilespmem:s29], [sflag:$0x2] =	stream.indirect_vreg.gather [hbm4b:s2+s4], $0x80, v4, vm0, $0xb8;
	[tilespmem:$0x1E000] =	vst v63  }
0x166: {  	v4 =	vld [tilespmem:s16+$0x1B0];
	_ =	sdelay $0x4  }
0x167: {  	v5 =	vshrl.u32 v4, $0x3  }
0x168: {  	v5 =	vmul.u32 $0x18, v5  }
0x169: {  	v4 =	vand.u32 $0x7, v4  }
0x16a: {  	v4 =	vor.u32 v4, v5  }
0x16b: {  	v5 =	vperm.xlane v4, v0;
	_ =	sdelay $0x1  }
0x16c: {  	v4 =	vperm.xlane v4, v2;
	v5 =	vadd.s32 v1, v5;
	_ =	sdelay $0x1  }
0x16d: {  	v4 =	vadd.s32 v1, v4;
	_ =	sdelay $0x2  }
0x16e: {  	[tilespmem:s30], [sflag:$0x2] =	stream.indirect_vreg.gather [hbm4b:s2+s4], $0x80, v5, vm0, $0xb8;
	[tilespmem:$0x1E000] =	vst v63  }
0x16f: {  	_ = 	snop  }
0x170: {  	[tilespmem:s31], [sflag:$0x2] =	stream.indirect_vreg.gather [hbm4b:s2+s4], $0x80, v4, vm0, $0xb8;
	[tilespmem:$0x1E000] =	vst v63  }
0x171: {  	v4 =	vld [tilespmem:s16+$0x1C0];
	_ =	sdelay $0x4  }
0x172: {  	v5 =	vshrl.u32 v4, $0x3  }
0x173: {  	v5 =	vmul.u32 $0x18, v5  }
0x174: {  	v4 =	vand.u32 $0x7, v4  }
0x175: {  	v4 =	vor.u32 v4, v5  }
0x176: {  	v5 =	vperm.xlane v4, v0;
	_ =	sdelay $0x1  }
0x177: {  	v5 =	vadd.s32 v1, v5  }
0x178: {  	v4 =	vperm.xlane v4, v2;
	_ =	sdelay $0x1  }
0x179: {  	v4 =	vadd.s32 v1, v4;
	_ =	sdelay $0x1  }
0x17a: {  	[tilespmem:s1], [sflag:$0x2] =	stream.indirect_vreg.gather [hbm4b:s2+s4], $0x80, v5, vm0, $0xb8;
	[tilespmem:$0x1E000] =	vst v63  }
.Ltmp6:
0x17b: {  	_ = 	snop;
	(pc) =	sbr.rel .LBB2_2-.Ltmp6, $4  }
0x17c: {  	_ = 	snop  }
0x17d: {  	[tilespmem:s0], [sflag:$0x2] =	stream.indirect_vreg.gather [hbm4b:s2+s4], $0x80, v4, vm0, $0xb8;
	[tilespmem:$0x1E000] =	vst v63  }
0x17e: {  	s15 =	sadd.s32 $0x1, s15;
	s16 =	sadd.s32 $0x180, s16  }
0x17f: {  	[tilespmem:s7], [sflag:$0x4] =	stream.indirect.gather [hbm4b:s3+s21], $0x80, s16, s21, $0xb8;
	[tilespmem:$0x1E000] =	vst v63  }
.LBB2_11:
0x180: {  	_ =	sfence.sel $0x180000  }
0x181: {  	[bflag:$0x0] =	sbarrier.arrive $0xFFFF  }
0x182: {  	_ =	strace $0x90000047  }
0x183: {  	s0 =	stileid.u32;
	[bflag:$0x2] =	sbarrier.arrive $0xFFFF  }
0x184: {  	p0 =	sne.s32 s0, $0x0;
	s0 =	rddreg [dreg:$0x3]  }
0x185: {  	s0 =	sadd.s32 @!p0 $0x100000, s0  }
0x186: {  	[sflag:s0] =	ssyncadd.tile.s32 @!p0 $0x1;
	_ =	shalt  }
.Lfunc_end2:
_tile_overlayer_lowered:
.L_overlay_start_2:
0x187: {  	(tag) =	ssettag $0x2  }
0x188: {  	s0 =	rddreg [dreg:$0x0];
	s2 =	stileid.u32  }
0x189: {  	s1 =	rddreg [dreg:$0x1];
	p0 =	sne.s32 s2, $0x0  }
0x18a: {  	s3 =	rddreg [dreg:$0x2];
	[bflag:$0x3] =	sbarrier.arrive $0xFFFF;
	s2 =	simm.s32 @!p0 $0x1C05  }
0x18b: {  	[timem:s3], [sflag:s2] =	dma.local @!p0 [hbm:s0], s1  }
0x18c: {  	s0 =	simm.s32 @!p0 $0x5  }
0x18d: {  	_ =	swait.ge @!p0 [sflag:s0], s1  }
0x18e: {  	s1 =	ssub.s32 @!p0 $0x0, s1;
	[sflag:s0] =	ssyncset.done @!p0 $0x0  }
0x18f: {  	[sflag:s0] =	ssyncadd.s32 @!p0 s1  }
0x190: {  	[bflag:$0x3] =	sbarrier.arrive $0xFFFF  }
0x191: {  	_ =	shalt  }

</sc_bundles>
